<compile_context>
chip_gen: v7x
topology: tpu7x:2x2x1
jax: 0.10.2.dev20260603
libtpu: 0.0.44.dev20260713+nightly
codegen_flags: <defaults>
</compile_context>

<pallas_src>
import functools

import jax
import jax.numpy as jnp
from jax import lax
from jax.experimental import pallas as pl
from jax.experimental.pallas import tpu as pltpu
from jax.experimental.pallas import tpu_sc as plsc

N = 10000
F_IN = 128
H = 16
C = 128
E = 320000

NC = 2
NS = 16
NW = NC * NS
EPW = E // NW
NP = 10240
ROWS_PER_TILE = NP // NS

BLK = 128
NFULL = EPW // BLK
REM = EPW - NFULL * BLK

_mesh = plsc.VectorSubcoreMesh(core_axis_name="c", subcore_axis_name="s")


@functools.partial(
    pl.kernel,
    out_type=jax.ShapeDtypeStruct((NC, NP), jnp.float32),
    mesh=_mesh,
    scratch_types=[
        pltpu.VMEM((EPW,), jnp.int32),
        pltpu.VMEM((BLK,), jnp.int32),
        pltpu.VMEM((REM,), jnp.int32),
        pltpu.VMEM((BLK,), jnp.float32),
        pltpu.VMEM((REM,), jnp.float32),
        pltpu.VMEM((ROWS_PER_TILE,), jnp.float32),
        pltpu.VMEM_SHARED((NP,), jnp.float32),
    ],
)
def _deg_sc(dst_hbm, degp_hbm, dst_v, iblk, irem, ones_v, ones_r, zeros_v, deg_sh):
    cid = lax.axis_index("c")
    sid = lax.axis_index("s")
    wid = sid * NC + cid

    def _fill(i, _):
        zeros_v[pl.ds(i * 16, 16)] = jnp.zeros((16,), jnp.float32)
        return _
    lax.fori_loop(0, ROWS_PER_TILE // 16, _fill, None)
    for k in range(BLK // 16):
        ones_v[pl.ds(k * 16, 16)] = jnp.ones((16,), jnp.float32)
    ones_r[...] = jnp.ones((REM,), jnp.float32)

    pltpu.sync_copy(zeros_v, deg_sh.at[pl.ds(sid * ROWS_PER_TILE, ROWS_PER_TILE)])
    plsc.subcore_barrier()

    pltpu.sync_copy(dst_hbm.at[pl.ds(wid * EPW, EPW)], dst_v)

    def _blk(j, _):
        for k in range(BLK // 16):
            iblk[pl.ds(k * 16, 16)] = dst_v[pl.ds(j * BLK + k * 16, 16)]
        pltpu.sync_copy(ones_v, deg_sh.at[iblk], add=True)
        return _
    lax.fori_loop(0, NFULL, _blk, None)

    irem[...] = dst_v[pl.ds(NFULL * BLK, REM)]
    pltpu.sync_copy(ones_r, deg_sh.at[irem], add=True)

    plsc.subcore_barrier()
    pltpu.sync_copy(
        deg_sh.at[pl.ds(sid * ROWS_PER_TILE, ROWS_PER_TILE)],
        degp_hbm.at[cid, pl.ds(sid * ROWS_PER_TILE, ROWS_PER_TILE)],
    )


@functools.partial(
    pl.kernel,
    out_type=jax.ShapeDtypeStruct((NC, NP, H), jnp.float32),
    mesh=_mesh,
    scratch_types=[
        pltpu.VMEM((EPW,), jnp.int32),
        pltpu.VMEM((EPW,), jnp.int32),
        pltpu.VMEM((BLK,), jnp.int32),
        pltpu.VMEM((BLK,), jnp.int32),
        pltpu.VMEM((REM,), jnp.int32),
        pltpu.VMEM((REM,), jnp.int32),
        pltpu.VMEM((BLK, H), jnp.float32),
        pltpu.VMEM((REM, H), jnp.float32),
        pltpu.VMEM((ROWS_PER_TILE, H), jnp.float32),
        pltpu.VMEM_SHARED((NP, H), jnp.float32),
        pltpu.SemaphoreType.DMA,
    ],
    compiler_params=pltpu.CompilerParams(use_tc_tiling_on_sc=False),
)
def _agg_sc(g_hbm, src_hbm, dst_hbm, aggp_hbm,
            src_v, dst_v, sblk, dblk, srem, drem, rows, rows_r, zeros_v,
            agg_sh, gsem):
    cid = lax.axis_index("c")
    sid = lax.axis_index("s")
    wid = sid * NC + cid

    def _fill(i, _):
        zeros_v[i] = jnp.zeros((H,), jnp.float32)
        return _
    lax.fori_loop(0, ROWS_PER_TILE, _fill, None)
    pltpu.sync_copy(
        zeros_v,
        agg_sh.at[pl.ds(sid * ROWS_PER_TILE, ROWS_PER_TILE)],
    )
    plsc.subcore_barrier()

    pltpu.sync_copy(src_hbm.at[pl.ds(wid * EPW, EPW)], src_v)
    pltpu.sync_copy(dst_hbm.at[pl.ds(wid * EPW, EPW)], dst_v)

    def _blk(j, _):
        for k in range(BLK // 16):
            sblk[pl.ds(k * 16, 16)] = src_v[pl.ds(j * BLK + k * 16, 16)]
            dblk[pl.ds(k * 16, 16)] = dst_v[pl.ds(j * BLK + k * 16, 16)]
        pltpu.async_copy(g_hbm.at[sblk], rows, gsem).wait()
        pltpu.sync_copy(rows, agg_sh.at[dblk], add=True)
        return _
    lax.fori_loop(0, NFULL, _blk, None)

    srem[...] = src_v[pl.ds(NFULL * BLK, REM)]
    drem[...] = dst_v[pl.ds(NFULL * BLK, REM)]
    pltpu.async_copy(g_hbm.at[srem], rows_r, gsem).wait()
    pltpu.sync_copy(rows_r, agg_sh.at[drem], add=True)

    plsc.subcore_barrier()
    pltpu.sync_copy(
        agg_sh.at[pl.ds(sid * ROWS_PER_TILE, ROWS_PER_TILE)],
        aggp_hbm.at[cid, pl.ds(sid * ROWS_PER_TILE, ROWS_PER_TILE)],
    )


RB = 1280
GRID = NP // RB


def _g_tc(x_ref, w1_ref, degp_ref, g_ref):
    deg = degp_ref[0] + degp_ref[1] + 1.0
    dinv = lax.rsqrt(deg)
    h = jnp.dot(x_ref[...], w1_ref[...], preferred_element_type=jnp.float32)
    g_ref[...] = h * dinv[:, None]


def _g_call(x, W1, degp):
    return pl.pallas_call(
        _g_tc,
        grid=(GRID,),
        in_specs=[
            pl.BlockSpec((RB, F_IN), lambda i: (i, 0)),
            pl.BlockSpec((F_IN, H), lambda i: (0, 0)),
            pl.BlockSpec((NC, RB), lambda i: (0, i)),
        ],
        out_specs=pl.BlockSpec((RB, H), lambda i: (i, 0)),
        out_shape=jax.ShapeDtypeStruct((N, H), jnp.float32),
    )(x, W1, degp)


def _out_tc(aggp_ref, degp_ref, g_ref, b1_ref, w2_ref, b2_ref, o_ref):
    deg = degp_ref[0] + degp_ref[1] + 1.0
    dinv = lax.rsqrt(deg)
    a = (aggp_ref[0] + aggp_ref[1] + g_ref[...]) * dinv[:, None] + b1_ref[...]
    r = jnp.maximum(a, 0.0)
    o_ref[...] = jnp.dot(r, w2_ref[...], preferred_element_type=jnp.float32) + b2_ref[...]


def _out_call(aggp, degp, g, b1, W2, b2):
    return pl.pallas_call(
        _out_tc,
        grid=(GRID,),
        in_specs=[
            pl.BlockSpec((NC, RB, H), lambda i: (0, i, 0)),
            pl.BlockSpec((NC, RB), lambda i: (0, i)),
            pl.BlockSpec((RB, H), lambda i: (i, 0)),
            pl.BlockSpec((1, H), lambda i: (0, 0)),
            pl.BlockSpec((H, C), lambda i: (0, 0)),
            pl.BlockSpec((1, C), lambda i: (0, 0)),
        ],
        out_specs=pl.BlockSpec((RB, C), lambda i: (i, 0)),
        out_shape=jax.ShapeDtypeStruct((N, C), jnp.float32),
    )(aggp, degp, g, b1, W2, b2)


def kernel(x, edge_index, W1, b1, W2, b2):
    src = edge_index[0]
    dst = edge_index[1]
    degp = _deg_sc(dst)
    g = _g_call(x, W1, degp)
    aggp = _agg_sc(g, src, dst)
    out = _out_call(aggp, degp, g, b1.reshape(1, H), W2, b2.reshape(1, C))
    return out

# --- scband reference (transcript-rebuilt; emitter-appended) ---
"""Pipeline reference for scband-gcn-mlc-63780264346284 (READ-ONLY COPY).

The authoritative reference and input builder live on the scoring server;
editing this copy changes nothing except your own understanding.
"""

import jax, jax.numpy as jnp
import numpy as np

N = 10000
F_IN = 128
H = 16
C = 128
E = 320000


def setup_inputs(seed: int = 0) -> dict:
    key = jax.random.key(seed)
    k1, k2, k3, k4, k5, k6 = jax.random.split(key, 6)
    x = jax.random.normal(k1, (N, F_IN), dtype=jnp.float32)
    edge_index = jax.random.randint(k2, (2, E), 0, N, dtype=jnp.int32)
    W1 = jax.random.normal(k3, (F_IN, H), dtype=jnp.float32) * (1.0 / np.sqrt(F_IN))
    b1 = jnp.zeros((H,), dtype=jnp.float32)
    W2 = jax.random.normal(k4, (H, C), dtype=jnp.float32) * (1.0 / np.sqrt(H))
    b2 = jnp.zeros((C,), dtype=jnp.float32)
    return {"x": x, "edge_index": edge_index, "W1": W1, "b1": b1, "W2": W2, "b2": b2}


def reference(x, edge_index, W1, b1, W2, b2):
    # GCNConv (PyG semantics): add self-loops, symmetric normalization, linear-first
    src = edge_index[0]
    dst = edge_index[1]
    loop = jnp.arange(N, dtype=src.dtype)
    src = jnp.concatenate([src, loop])
    dst = jnp.concatenate([dst, loop])
    # linear transform first (reduces message width to H)
    h = x @ W1
    # degree with self-loops (in-degree on dst with unit edge weights)
    ones = jnp.ones((src.shape[0],), dtype=jnp.float32)
    deg = jax.ops.segment_sum(ones, dst, num_segments=N)
    deg_inv_sqrt = jnp.where(deg > 0, 1.0 / jnp.sqrt(deg), 0.0)
    coef = deg_inv_sqrt[src] * deg_inv_sqrt[dst]
    # gather messages, weight, scatter-add to dst
    msg = h[src] * coef[:, None]
    agg = jax.ops.segment_sum(msg, dst, num_segments=N)
    agg = agg + b1
    # ReLU then final classification head
    out = jax.nn.relu(agg) @ W2 + b2
    return out

if __name__ == "__main__":
    import jax
    _d = setup_inputs()
    print(jax.jit(kernel)(*tuple(_d.values())))

</pallas_src>

<mosaic_0001>
#map = affine_map<(d0, d1) -> (0, 0)>
#map1 = affine_map<(d0, d1) -> (0)>
#map2 = affine_map<(d0, d1) -> (0, 0, 0)>
module attributes {stable_mosaic.version = 14 : i64} {
  func.func @_agg_sc(%arg0: i32, %arg1: i32, %arg2: memref<10000x16xf32, #tpu.memory_space<hbm>>, %arg3: memref<320000xi32, #tpu.memory_space<hbm>>, %arg4: memref<320000xi32, #tpu.memory_space<hbm>>, %arg5: memref<2x10240x16xf32, #tpu.memory_space<hbm>>, %arg6: memref<10000xi32, #tpu.memory_space<vmem>>, %arg7: memref<10000xi32, #tpu.memory_space<vmem>>, %arg8: memref<128xi32, #tpu.memory_space<vmem>>, %arg9: memref<128xi32, #tpu.memory_space<vmem>>, %arg10: memref<16xi32, #tpu.memory_space<vmem>>, %arg11: memref<16xi32, #tpu.memory_space<vmem>>, %arg12: memref<128x16xf32, #tpu.memory_space<vmem>>, %arg13: memref<16x16xf32, #tpu.memory_space<vmem>>, %arg14: memref<640x16xf32, #tpu.memory_space<vmem>>, %arg15: memref<10240x16xf32, #tpu.memory_space<vmem_shared>>, %arg16: memref<!tpu.dma_semaphore, #tpu.memory_space<semaphore_mem>>) attributes {dimension_semantics = [#tpu.dimension_semantics<core_parallel>, #tpu.dimension_semantics<subcore_parallel>], iteration_bounds = array<i64: 2, 16>, scalar_prefetch = 0 : i64, scratch_operands = 11 : i64, tpu.core_type = #tpu.core_type<sc_vector_subcore>, window_params = [{transform_indices = #map}, {transform_indices = #map1}, {transform_indices = #map1}, {transform_indices = #map2}]} {
    %mul3A = arith.constant 2 : i32
    %mul3A_0 = arith.muli %arg1, %mul3A : i32
    %add3A = arith.addi %mul3A_0, %arg0 : i32
    %scan3A = arith.constant 0 : i32
    %scan3A_1 = arith.constant 640 : i32
    %scan3A_2 = arith.addi %scan3A, %scan3A_1 : i32
    %scan3A_3 = arith.constant 1 : i32
    scf.for %scan3A_37 = %scan3A to %scan3A_2 step %scan3A_3  : i32 {
      %broadcast_in_dim3A = arith.constant 0.000000e+00 : f32
      %broadcast_in_dim3A_38 = vector.broadcast %broadcast_in_dim3A : f32 to vector<16xf32>
      %swap3A_39 = arith.index_cast %scan3A_37 : i32 to index
      %swap3A_40 = arith.constant 0 : index
      %swap3A_41 = tpu.vector_load %arg14[%swap3A_39, %swap3A_40] {strides = array<i32>} : memref<640x16xf32, #tpu.memory_space<vmem>>, vector<1x16xf32>,
      %swap3A_42 = vector.shape_cast %swap3A_41 : vector<1x16xf32> to vector<16xf32>
      %swap3A_43 = vector.shape_cast %broadcast_in_dim3A_38 : vector<16xf32> to vector<1x16xf32>
      tpu.vector_store %arg14[%swap3A_39, %swap3A_40], %swap3A_43 {strides = array<i32>} : memref<640x16xf32, #tpu.memory_space<vmem>>, vector<1x16xf32>,
    }
    %scan3A_4 = arith.constant 640 : i32
    %mul3A_5 = arith.constant 640 : i32
    %mul3A_6 = arith.muli %arg1, %mul3A_5 : i32
    "tpu.region"() ({
      %run_scoped3A = tpu.sem_alloc : memref<!tpu.dma_semaphore, #tpu.memory_space<semaphore_mem>>
      %dma_start3A_37 = arith.constant 0 : i32
      %dma_start3A_38 = tpu.memref_slice %arg15[%mul3A_6, %dma_start3A_37] : memref<10240x16xf32, #tpu.memory_space<vmem_shared>> -> memref<640x16xf32, #tpu.memory_space<vmem_shared>>
      %dma_start3A_39 = arith.constant 0 : i32
      %dma_start3A_40 = tpu.memref_slice %arg15[%mul3A_6, %dma_start3A_39] : memref<10240x16xf32, #tpu.memory_space<vmem_shared>> -> memref<640x16xf32, #tpu.memory_space<vmem_shared>>
      tpu.enqueue_dma source(%arg14 : memref<640x16xf32, #tpu.memory_space<vmem>>) target(%dma_start3A_40 : memref<640x16xf32, #tpu.memory_space<vmem_shared>>) target_semaphore(%run_scoped3A : memref<!tpu.dma_semaphore, #tpu.memory_space<semaphore_mem>>)
      %dma_wait3A_41 = arith.constant 0 : i32
      %dma_wait3A_42 = tpu.memref_slice %arg15[%mul3A_6, %dma_wait3A_41] : memref<10240x16xf32, #tpu.memory_space<vmem_shared>> -> memref<640x16xf32, #tpu.memory_space<vmem_shared>>
      %dma_wait3A_43 = arith.constant 0 : i32
      %dma_wait3A_44 = tpu.memref_slice %arg15[%mul3A_6, %dma_wait3A_43] : memref<10240x16xf32, #tpu.memory_space<vmem_shared>> -> memref<640x16xf32, #tpu.memory_space<vmem_shared>>
      tpu.wait_dma2 semaphore(%run_scoped3A : memref<!tpu.dma_semaphore, #tpu.memory_space<semaphore_mem>>) src(%arg14 : memref<640x16xf32, #tpu.memory_space<vmem>>) dst(%dma_wait3A_44 : memref<640x16xf32, #tpu.memory_space<vmem_shared>>)
      tpu.yield
    }) : () -> ()
    %barrier3A = arith.constant 0 : index
    tpu.barrier barrier_id(%barrier3A)
    %mul3A_7 = arith.constant 10000 : i32
    %mul3A_8 = arith.muli %add3A, %mul3A_7 : i32
    "tpu.region"() ({
      %run_scoped3A = tpu.sem_alloc : memref<!tpu.dma_semaphore, #tpu.memory_space<semaphore_mem>>
      %dma_start3A_37 = tpu.memref_slice %arg3[%mul3A_8] : memref<320000xi32, #tpu.memory_space<hbm>> -> memref<10000xi32, #tpu.memory_space<hbm>>
      %dma_start3A_38 = tpu.memref_slice %arg3[%mul3A_8] : memref<320000xi32, #tpu.memory_space<hbm>> -> memref<10000xi32, #tpu.memory_space<hbm>>
      tpu.enqueue_dma source(%dma_start3A_38 : memref<10000xi32, #tpu.memory_space<hbm>>) target(%arg6 : memref<10000xi32, #tpu.memory_space<vmem>>) target_semaphore(%run_scoped3A : memref<!tpu.dma_semaphore, #tpu.memory_space<semaphore_mem>>)
      %dma_wait3A_39 = tpu.memref_slice %arg3[%mul3A_8] : memref<320000xi32, #tpu.memory_space<hbm>> -> memref<10000xi32, #tpu.memory_space<hbm>>
      %dma_wait3A_40 = tpu.memref_slice %arg3[%mul3A_8] : memref<320000xi32, #tpu.memory_space<hbm>> -> memref<10000xi32, #tpu.memory_space<hbm>>
      tpu.wait_dma2 semaphore(%run_scoped3A : memref<!tpu.dma_semaphore, #tpu.memory_space<semaphore_mem>>) src(%dma_wait3A_40 : memref<10000xi32, #tpu.memory_space<hbm>>) dst(%arg6 : memref<10000xi32, #tpu.memory_space<vmem>>)
      tpu.yield
    }) : () -> ()
    %mul3A_9 = arith.constant 10000 : i32
    %mul3A_10 = arith.muli %add3A, %mul3A_9 : i32
    "tpu.region"() ({
      %run_scoped3A = tpu.sem_alloc : memref<!tpu.dma_semaphore, #tpu.memory_space<semaphore_mem>>
      %dma_start3A_37 = tpu.memref_slice %arg4[%mul3A_10] : memref<320000xi32, #tpu.memory_space<hbm>> -> memref<10000xi32, #tpu.memory_space<hbm>>
      %dma_start3A_38 = tpu.memref_slice %arg4[%mul3A_10] : memref<320000xi32, #tpu.memory_space<hbm>> -> memref<10000xi32, #tpu.memory_space<hbm>>
      tpu.enqueue_dma source(%dma_start3A_38 : memref<10000xi32, #tpu.memory_space<hbm>>) target(%arg7 : memref<10000xi32, #tpu.memory_space<vmem>>) target_semaphore(%run_scoped3A : memref<!tpu.dma_semaphore, #tpu.memory_space<semaphore_mem>>)
      %dma_wait3A_39 = tpu.memref_slice %arg4[%mul3A_10] : memref<320000xi32, #tpu.memory_space<hbm>> -> memref<10000xi32, #tpu.memory_space<hbm>>
      %dma_wait3A_40 = tpu.memref_slice %arg4[%mul3A_10] : memref<320000xi32, #tpu.memory_space<hbm>> -> memref<10000xi32, #tpu.memory_space<hbm>>
      tpu.wait_dma2 semaphore(%run_scoped3A : memref<!tpu.dma_semaphore, #tpu.memory_space<semaphore_mem>>) src(%dma_wait3A_40 : memref<10000xi32, #tpu.memory_space<hbm>>) dst(%arg7 : memref<10000xi32, #tpu.memory_space<vmem>>)
      tpu.yield
    }) : () -> ()
    %scan3A_11 = arith.constant 0 : i32
    %scan3A_12 = arith.constant 78 : i32
    %scan3A_13 = arith.addi %scan3A_11, %scan3A_12 : i32
    %scan3A_14 = arith.constant 1 : i32
    scf.for %scan3A_37 = %scan3A_11 to %scan3A_13 step %scan3A_14  : i32 {
      %mul3A_38 = arith.constant 128 : i32
      %mul3A_39 = arith.muli %scan3A_37, %mul3A_38 : i32
      %add3A_40 = arith.constant 0 : i32
      %add3A_41 = arith.addi %mul3A_39, %add3A_40 : i32
      %get3A_42 = arith.index_cast %add3A_41 : i32 to index
      %get3A_43 = tpu.vector_load %arg6[%get3A_42] {strides = array<i32>} : memref<10000xi32, #tpu.memory_space<vmem>>, vector<16xi32>,
      %get3A_44 = vector.shape_cast %get3A_43 : vector<16xi32> to vector<16xi32>
      %swap3A_45 = arith.constant 0 : index
      %swap3A_46 = tpu.vector_load %arg8[%swap3A_45] {strides = array<i32>} : memref<128xi32, #tpu.memory_space<vmem>>, vector<16xi32>,
      %swap3A_47 = vector.shape_cast %swap3A_46 : vector<16xi32> to vector<16xi32>
      %swap3A_48 = vector.shape_cast %get3A_44 : vector<16xi32> to vector<16xi32>
      tpu.vector_store %arg8[%swap3A_45], %swap3A_48 {strides = array<i32>} : memref<128xi32, #tpu.memory_space<vmem>>, vector<16xi32>,
      %mul3A_49 = arith.constant 128 : i32
      %mul3A_50 = arith.muli %scan3A_37, %mul3A_49 : i32
      %add3A_51 = arith.constant 0 : i32
      %add3A_52 = arith.addi %mul3A_50, %add3A_51 : i32
      %get3A_53 = arith.index_cast %add3A_52 : i32 to index
      %get3A_54 = tpu.vector_load %arg7[%get3A_53] {strides = array<i32>} : memref<10000xi32, #tpu.memory_space<vmem>>, vector<16xi32>,
      %get3A_55 = vector.shape_cast %get3A_54 : vector<16xi32> to vector<16xi32>
      %swap3A_56 = arith.constant 0 : index
      %swap3A_57 = tpu.vector_load %arg9[%swap3A_56] {strides = array<i32>} : memref<128xi32, #tpu.memory_space<vmem>>, vector<16xi32>,
      %swap3A_58 = vector.shape_cast %swap3A_57 : vector<16xi32> to vector<16xi32>
      %swap3A_59 = vector.shape_cast %get3A_55 : vector<16xi32> to vector<16xi32>
      tpu.vector_store %arg9[%swap3A_56], %swap3A_59 {strides = array<i32>} : memref<128xi32, #tpu.memory_space<vmem>>, vector<16xi32>,
      %mul3A_60 = arith.constant 128 : i32
      %mul3A_61 = arith.muli %scan3A_37, %mul3A_60 : i32
      %add3A_62 = arith.constant 16 : i32
      %add3A_63 = arith.addi %mul3A_61, %add3A_62 : i32
      %get3A_64 = arith.index_cast %add3A_63 : i32 to index
      %get3A_65 = tpu.vector_load %arg6[%get3A_64] {strides = array<i32>} : memref<10000xi32, #tpu.memory_space<vmem>>, vector<16xi32>,
      %get3A_66 = vector.shape_cast %get3A_65 : vector<16xi32> to vector<16xi32>
      %swap3A_67 = arith.constant 16 : index
      %swap3A_68 = tpu.vector_load %arg8[%swap3A_67] {strides = array<i32>} : memref<128xi32, #tpu.memory_space<vmem>>, vector<16xi32>,
      %swap3A_69 = vector.shape_cast %swap3A_68 : vector<16xi32> to vector<16xi32>
      %swap3A_70 = vector.shape_cast %get3A_66 : vector<16xi32> to vector<16xi32>
      tpu.vector_store %arg8[%swap3A_67], %swap3A_70 {strides = array<i32>} : memref<128xi32, #tpu.memory_space<vmem>>, vector<16xi32>,
      %mul3A_71 = arith.constant 128 : i32
      %mul3A_72 = arith.muli %scan3A_37, %mul3A_71 : i32
      %add3A_73 = arith.constant 16 : i32
      %add3A_74 = arith.addi %mul3A_72, %add3A_73 : i32
      %get3A_75 = arith.index_cast %add3A_74 : i32 to index
      %get3A_76 = tpu.vector_load %arg7[%get3A_75] {strides = array<i32>} : memref<10000xi32, #tpu.memory_space<vmem>>, vector<16xi32>,
      %get3A_77 = vector.shape_cast %get3A_76 : vector<16xi32> to vector<16xi32>
      %swap3A_78 = arith.constant 16 : index
      %swap3A_79 = tpu.vector_load %arg9[%swap3A_78] {strides = array<i32>} : memref<128xi32, #tpu.memory_space<vmem>>, vector<16xi32>,
      %swap3A_80 = vector.shape_cast %swap3A_79 : vector<16xi32> to vector<16xi32>
      %swap3A_81 = vector.shape_cast %get3A_77 : vector<16xi32> to vector<16xi32>
      tpu.vector_store %arg9[%swap3A_78], %swap3A_81 {strides = array<i32>} : memref<128xi32, #tpu.memory_space<vmem>>, vector<16xi32>,
      %mul3A_82 = arith.constant 128 : i32
      %mul3A_83 = arith.muli %scan3A_37, %mul3A_82 : i32
      %add3A_84 = arith.constant 32 : i32
      %add3A_85 = arith.addi %mul3A_83, %add3A_84 : i32
      %get3A_86 = arith.index_cast %add3A_85 : i32 to index
      %get3A_87 = tpu.vector_load %arg6[%get3A_86] {strides = array<i32>} : memref<10000xi32, #tpu.memory_space<vmem>>, vector<16xi32>,
      %get3A_88 = vector.shape_cast %get3A_87 : vector<16xi32> to vector<16xi32>
      %swap3A_89 = arith.constant 32 : index
      %swap3A_90 = tpu.vector_load %arg8[%swap3A_89] {strides = array<i32>} : memref<128xi32, #tpu.memory_space<vmem>>, vector<16xi32>,
      %swap3A_91 = vector.shape_cast %swap3A_90 : vector<16xi32> to vector<16xi32>
      %swap3A_92 = vector.shape_cast %get3A_88 : vector<16xi32> to vector<16xi32>
      tpu.vector_store %arg8[%swap3A_89], %swap3A_92 {strides = array<i32>} : memref<128xi32, #tpu.memory_space<vmem>>, vector<16xi32>,
      %mul3A_93 = arith.constant 128 : i32
      %mul3A_94 = arith.muli %scan3A_37, %mul3A_93 : i32
      %add3A_95 = arith.constant 32 : i32
      %add3A_96 = arith.addi %mul3A_94, %add3A_95 : i32
      %get3A_97 = arith.index_cast %add3A_96 : i32 to index
      %get3A_98 = tpu.vector_load %arg7[%get3A_97] {strides = array<i32>} : memref<10000xi32, #tpu.memory_space<vmem>>, vector<16xi32>,
      %get3A_99 = vector.shape_cast %get3A_98 : vector<16xi32> to vector<16xi32>
      %swap3A_100 = arith.constant 32 : index
      %swap3A_101 = tpu.vector_load %arg9[%swap3A_100] {strides = array<i32>} : memref<128xi32, #tpu.memory_space<vmem>>, vector<16xi32>,
      %swap3A_102 = vector.shape_cast %swap3A_101 : vector<16xi32> to vector<16xi32>
      %swap3A_103 = vector.shape_cast %get3A_99 : vector<16xi32> to vector<16xi32>
      tpu.vector_store %arg9[%swap3A_100], %swap3A_103 {strides = array<i32>} : memref<128xi32, #tpu.memory_space<vmem>>, vector<16xi32>,
      %mul3A_104 = arith.constant 128 : i32
      %mul3A_105 = arith.muli %scan3A_37, %mul3A_104 : i32
      %add3A_106 = arith.constant 48 : i32
      %add3A_107 = arith.addi %mul3A_105, %add3A_106 : i32
      %get3A_108 = arith.index_cast %add3A_107 : i32 to index
      %get3A_109 = tpu.vector_load %arg6[%get3A_108] {strides = array<i32>} : memref<10000xi32, #tpu.memory_space<vmem>>, vector<16xi32>,
      %get3A_110 = vector.shape_cast %get3A_109 : vector<16xi32> to vector<16xi32>
      %swap3A_111 = arith.constant 48 : index
      %swap3A_112 = tpu.vector_load %arg8[%swap3A_111] {strides = array<i32>} : memref<128xi32, #tpu.memory_space<vmem>>, vector<16xi32>,
      %swap3A_113 = vector.shape_cast %swap3A_112 : vector<16xi32> to vector<16xi32>
      %swap3A_114 = vector.shape_cast %get3A_110 : vector<16xi32> to vector<16xi32>
      tpu.vector_store %arg8[%swap3A_111], %swap3A_114 {strides = array<i32>} : memref<128xi32, #tpu.memory_space<vmem>>, vector<16xi32>,
      %mul3A_115 = arith.constant 128 : i32
      %mul3A_116 = arith.muli %scan3A_37, %mul3A_115 : i32
      %add3A_117 = arith.constant 48 : i32
      %add3A_118 = arith.addi %mul3A_116, %add3A_117 : i32
      %get3A_119 = arith.index_cast %add3A_118 : i32 to index
      %get3A_120 = tpu.vector_load %arg7[%get3A_119] {strides = array<i32>} : memref<10000xi32, #tpu.memory_space<vmem>>, vector<16xi32>,
      %get3A_121 = vector.shape_cast %get3A_120 : vector<16xi32> to vector<16xi32>
      %swap3A_122 = arith.constant 48 : index
      %swap3A_123 = tpu.vector_load %arg9[%swap3A_122] {strides = array<i32>} : memref<128xi32, #tpu.memory_space<vmem>>, vector<16xi32>,
      %swap3A_124 = vector.shape_cast %swap3A_123 : vector<16xi32> to vector<16xi32>
      %swap3A_125 = vector.shape_cast %get3A_121 : vector<16xi32> to vector<16xi32>
      tpu.vector_store %arg9[%swap3A_122], %swap3A_125 {strides = array<i32>} : memref<128xi32, #tpu.memory_space<vmem>>, vector<16xi32>,
      %mul3A_126 = arith.constant 128 : i32
      %mul3A_127 = arith.muli %scan3A_37, %mul3A_126 : i32
      %add3A_128 = arith.constant 64 : i32
      %add3A_129 = arith.addi %mul3A_127, %add3A_128 : i32
      %get3A_130 = arith.index_cast %add3A_129 : i32 to index
      %get3A_131 = tpu.vector_load %arg6[%get3A_130] {strides = array<i32>} : memref<10000xi32, #tpu.memory_space<vmem>>, vector<16xi32>,
      %get3A_132 = vector.shape_cast %get3A_131 : vector<16xi32> to vector<16xi32>
      %swap3A_133 = arith.constant 64 : index
      %swap3A_134 = tpu.vector_load %arg8[%swap3A_133] {strides = array<i32>} : memref<128xi32, #tpu.memory_space<vmem>>, vector<16xi32>,
      %swap3A_135 = vector.shape_cast %swap3A_134 : vector<16xi32> to vector<16xi32>
      %swap3A_136 = vector.shape_cast %get3A_132 : vector<16xi32> to vector<16xi32>
      tpu.vector_store %arg8[%swap3A_133], %swap3A_136 {strides = array<i32>} : memref<128xi32, #tpu.memory_space<vmem>>, vector<16xi32>,
      %mul3A_137 = arith.constant 128 : i32
      %mul3A_138 = arith.muli %scan3A_37, %mul3A_137 : i32
      %add3A_139 = arith.constant 64 : i32
      %add3A_140 = arith.addi %mul3A_138, %add3A_139 : i32
      %get3A_141 = arith.index_cast %add3A_140 : i32 to index
      %get3A_142 = tpu.vector_load %arg7[%get3A_141] {strides = array<i32>} : memref<10000xi32, #tpu.memory_space<vmem>>, vector<16xi32>,
      %get3A_143 = vector.shape_cast %get3A_142 : vector<16xi32> to vector<16xi32>
      %swap3A_144 = arith.constant 64 : index
      %swap3A_145 = tpu.vector_load %arg9[%swap3A_144] {strides = array<i32>} : memref<128xi32, #tpu.memory_space<vmem>>, vector<16xi32>,
      %swap3A_146 = vector.shape_cast %swap3A_145 : vector<16xi32> to vector<16xi32>
      %swap3A_147 = vector.shape_cast %get3A_143 : vector<16xi32> to vector<16xi32>
      tpu.vector_store %arg9[%swap3A_144], %swap3A_147 {strides = array<i32>} : memref<128xi32, #tpu.memory_space<vmem>>, vector<16xi32>,
      %mul3A_148 = arith.constant 128 : i32
      %mul3A_149 = arith.muli %scan3A_37, %mul3A_148 : i32
      %add3A_150 = arith.constant 80 : i32
      %add3A_151 = arith.addi %mul3A_149, %add3A_150 : i32
      %get3A_152 = arith.index_cast %add3A_151 : i32 to index
      %get3A_153 = tpu.vector_load %arg6[%get3A_152] {strides = array<i32>} : memref<10000xi32, #tpu.memory_space<vmem>>, vector<16xi32>,
      %get3A_154 = vector.shape_cast %get3A_153 : vector<16xi32> to vector<16xi32>
      %swap3A_155 = arith.constant 80 : index
      %swap3A_156 = tpu.vector_load %arg8[%swap3A_155] {strides = array<i32>} : memref<128xi32, #tpu.memory_space<vmem>>, vector<16xi32>,
      %swap3A_157 = vector.shape_cast %swap3A_156 : vector<16xi32> to vector<16xi32>
      %swap3A_158 = vector.shape_cast %get3A_154 : vector<16xi32> to vector<16xi32>
      tpu.vector_store %arg8[%swap3A_155], %swap3A_158 {strides = array<i32>} : memref<128xi32, #tpu.memory_space<vmem>>, vector<16xi32>,
      %mul3A_159 = arith.constant 128 : i32
      %mul3A_160 = arith.muli %scan3A_37, %mul3A_159 : i32
      %add3A_161 = arith.constant 80 : i32
      %add3A_162 = arith.addi %mul3A_160, %add3A_161 : i32
      %get3A_163 = arith.index_cast %add3A_162 : i32 to index
      %get3A_164 = tpu.vector_load %arg7[%get3A_163] {strides = array<i32>} : memref<10000xi32, #tpu.memory_space<vmem>>, vector<16xi32>,
      %get3A_165 = vector.shape_cast %get3A_164 : vector<16xi32> to vector<16xi32>
      %swap3A_166 = arith.constant 80 : index
      %swap3A_167 = tpu.vector_load %arg9[%swap3A_166] {strides = array<i32>} : memref<128xi32, #tpu.memory_space<vmem>>, vector<16xi32>,
      %swap3A_168 = vector.shape_cast %swap3A_167 : vector<16xi32> to vector<16xi32>
      %swap3A_169 = vector.shape_cast %get3A_165 : vector<16xi32> to vector<16xi32>
      tpu.vector_store %arg9[%swap3A_166], %swap3A_169 {strides = array<i32>} : memref<128xi32, #tpu.memory_space<vmem>>, vector<16xi32>,
      %mul3A_170 = arith.constant 128 : i32
      %mul3A_171 = arith.muli %scan3A_37, %mul3A_170 : i32
      %add3A_172 = arith.constant 96 : i32
      %add3A_173 = arith.addi %mul3A_171, %add3A_172 : i32
      %get3A_174 = arith.index_cast %add3A_173 : i32 to index
      %get3A_175 = tpu.vector_load %arg6[%get3A_174] {strides = array<i32>} : memref<10000xi32, #tpu.memory_space<vmem>>, vector<16xi32>,
      %get3A_176 = vector.shape_cast %get3A_175 : vector<16xi32> to vector<16xi32>
      %swap3A_177 = arith.constant 96 : index
      %swap3A_178 = tpu.vector_load %arg8[%swap3A_177] {strides = array<i32>} : memref<128xi32, #tpu.memory_space<vmem>>, vector<16xi32>,
      %swap3A_179 = vector.shape_cast %swap3A_178 : vector<16xi32> to vector<16xi32>
      %swap3A_180 = vector.shape_cast %get3A_176 : vector<16xi32> to vector<16xi32>
      tpu.vector_store %arg8[%swap3A_177], %swap3A_180 {strides = array<i32>} : memref<128xi32, #tpu.memory_space<vmem>>, vector<16xi32>,
      %mul3A_181 = arith.constant 128 : i32
      %mul3A_182 = arith.muli %scan3A_37, %mul3A_181 : i32
      %add3A_183 = arith.constant 96 : i32
      %add3A_184 = arith.addi %mul3A_182, %add3A_183 : i32
      %get3A_185 = arith.index_cast %add3A_184 : i32 to index
      %get3A_186 = tpu.vector_load %arg7[%get3A_185] {strides = array<i32>} : memref<10000xi32, #tpu.memory_space<vmem>>, vector<16xi32>,
      %get3A_187 = vector.shape_cast %get3A_186 : vector<16xi32> to vector<16xi32>
      %swap3A_188 = arith.constant 96 : index
      %swap3A_189 = tpu.vector_load %arg9[%swap3A_188] {strides = array<i32>} : memref<128xi32, #tpu.memory_space<vmem>>, vector<16xi32>,
      %swap3A_190 = vector.shape_cast %swap3A_189 : vector<16xi32> to vector<16xi32>
      %swap3A_191 = vector.shape_cast %get3A_187 : vector<16xi32> to vector<16xi32>
      tpu.vector_store %arg9[%swap3A_188], %swap3A_191 {strides = array<i32>} : memref<128xi32, #tpu.memory_space<vmem>>, vector<16xi32>,
      %mul3A_192 = arith.constant 128 : i32
      %mul3A_193 = arith.muli %scan3A_37, %mul3A_192 : i32
      %add3A_194 = arith.constant 112 : i32
      %add3A_195 = arith.addi %mul3A_193, %add3A_194 : i32
      %get3A_196 = arith.index_cast %add3A_195 : i32 to index
      %get3A_197 = tpu.vector_load %arg6[%get3A_196] {strides = array<i32>} : memref<10000xi32, #tpu.memory_space<vmem>>, vector<16xi32>,
      %get3A_198 = vector.shape_cast %get3A_197 : vector<16xi32> to vector<16xi32>
      %swap3A_199 = arith.constant 112 : index
      %swap3A_200 = tpu.vector_load %arg8[%swap3A_199] {strides = array<i32>} : memref<128xi32, #tpu.memory_space<vmem>>, vector<16xi32>,
      %swap3A_201 = vector.shape_cast %swap3A_200 : vector<16xi32> to vector<16xi32>
      %swap3A_202 = vector.shape_cast %get3A_198 : vector<16xi32> to vector<16xi32>
      tpu.vector_store %arg8[%swap3A_199], %swap3A_202 {strides = array<i32>} : memref<128xi32, #tpu.memory_space<vmem>>, vector<16xi32>,
      %mul3A_203 = arith.constant 128 : i32
      %mul3A_204 = arith.muli %scan3A_37, %mul3A_203 : i32
      %add3A_205 = arith.constant 112 : i32
      %add3A_206 = arith.addi %mul3A_204, %add3A_205 : i32
      %get3A_207 = arith.index_cast %add3A_206 : i32 to index
      %get3A_208 = tpu.vector_load %arg7[%get3A_207] {strides = array<i32>} : memref<10000xi32, #tpu.memory_space<vmem>>, vector<16xi32>,
      %get3A_209 = vector.shape_cast %get3A_208 : vector<16xi32> to vector<16xi32>
      %swap3A_210 = arith.constant 112 : index
      %swap3A_211 = tpu.vector_load %arg9[%swap3A_210] {strides = array<i32>} : memref<128xi32, #tpu.memory_space<vmem>>, vector<16xi32>,
      %swap3A_212 = vector.shape_cast %swap3A_211 : vector<16xi32> to vector<16xi32>
      %swap3A_213 = vector.shape_cast %get3A_209 : vector<16xi32> to vector<16xi32>
      tpu.vector_store %arg9[%swap3A_210], %swap3A_213 {strides = array<i32>} : memref<128xi32, #tpu.memory_space<vmem>>, vector<16xi32>,
      %dma_start3A_214 = arith.constant 0 : i32
      %dma_start3A_215 = arith.constant 0 : i32
      %dma_start3A_216 = tpu.memref_slice %arg2[%dma_start3A_214, %dma_start3A_215] : memref<10000x16xf32, #tpu.memory_space<hbm>> -> memref<10000x16xf32, #tpu.memory_space<hbm>>
      tpu.enqueue_indirect_dma source(%dma_start3A_216 : memref<10000x16xf32, #tpu.memory_space<hbm>>) target(%arg12 : memref<128x16xf32, #tpu.memory_space<vmem>>) offsets(%arg8 : memref<128xi32, #tpu.memory_space<vmem>>) semaphore(%arg16 : memref<!tpu.dma_semaphore, #tpu.memory_space<semaphore_mem>>)
      %dma_wait3A_217 = arith.constant 0 : i32
      %dma_wait3A_218 = arith.constant 0 : i32
      %dma_wait3A_219 = tpu.memref_slice %arg2[%dma_wait3A_217, %dma_wait3A_218] : memref<10000x16xf32, #tpu.memory_space<hbm>> -> memref<10000x16xf32, #tpu.memory_space<hbm>>
      tpu.wait_indirect_dma semaphore(%arg16 : memref<!tpu.dma_semaphore, #tpu.memory_space<semaphore_mem>>) src(%dma_wait3A_219 : memref<10000x16xf32, #tpu.memory_space<hbm>>) dst(%arg12 : memref<128x16xf32, #tpu.memory_space<vmem>>)
      "tpu.region"() ({
        %run_scoped3A = tpu.sem_alloc : memref<!tpu.dma_semaphore, #tpu.memory_space<semaphore_mem>>
        %dma_start3A_220 = arith.constant 0 : i32
        %dma_start3A_221 = arith.constant 0 : i32
        %dma_start3A_222 = tpu.memref_slice %arg15[%dma_start3A_220, %dma_start3A_221] : memref<10240x16xf32, #tpu.memory_space<vmem_shared>> -> memref<10240x16xf32, #tpu.memory_space<vmem_shared>>
        tpu.enqueue_indirect_dma source(%arg12 : memref<128x16xf32, #tpu.memory_space<vmem>>) target(%dma_start3A_222 : memref<10240x16xf32, #tpu.memory_space<vmem_shared>>) offsets(%arg9 : memref<128xi32, #tpu.memory_space<vmem>>) semaphore(%run_scoped3A : memref<!tpu.dma_semaphore, #tpu.memory_space<semaphore_mem>>) {add = true}
        %dma_wait3A_223 = arith.constant 0 : i32
        %dma_wait3A_224 = arith.constant 0 : i32
        %dma_wait3A_225 = tpu.memref_slice %arg15[%dma_wait3A_223, %dma_wait3A_224] : memref<10240x16xf32, #tpu.memory_space<vmem_shared>> -> memref<10240x16xf32, #tpu.memory_space<vmem_shared>>
        tpu.wait_indirect_dma semaphore(%run_scoped3A : memref<!tpu.dma_semaphore, #tpu.memory_space<semaphore_mem>>) src(%arg12 : memref<128x16xf32, #tpu.memory_space<vmem>>) dst(%dma_wait3A_225 : memref<10240x16xf32, #tpu.memory_space<vmem_shared>>)
        tpu.yield
      }) : () -> ()
    }
    %scan3A_15 = arith.constant 78 : i32
    %get3A = arith.constant 9984 : index
    %get3A_16 = tpu.vector_load %arg6[%get3A] {strides = array<i32>} : memref<10000xi32, #tpu.memory_space<vmem>>, vector<16xi32>,
    %get3A_17 = vector.shape_cast %get3A_16 : vector<16xi32> to vector<16xi32>
    %swap3A = arith.constant 0 : index
    %swap3A_18 = tpu.vector_load %arg10[%swap3A] {strides = array<i32>} : memref<16xi32, #tpu.memory_space<vmem>>, vector<16xi32>,
    %swap3A_19 = vector.shape_cast %swap3A_18 : vector<16xi32> to vector<16xi32>
    %swap3A_20 = vector.shape_cast %get3A_17 : vector<16xi32> to vector<16xi32>
    tpu.vector_store %arg10[%swap3A], %swap3A_20 {strides = array<i32>} : memref<16xi32, #tpu.memory_space<vmem>>, vector<16xi32>,
    %get3A_21 = arith.constant 9984 : index
    %get3A_22 = tpu.vector_load %arg7[%get3A_21] {strides = array<i32>} : memref<10000xi32, #tpu.memory_space<vmem>>, vector<16xi32>,
    %get3A_23 = vector.shape_cast %get3A_22 : vector<16xi32> to vector<16xi32>
    %swap3A_24 = arith.constant 0 : index
    %swap3A_25 = tpu.vector_load %arg11[%swap3A_24] {strides = array<i32>} : memref<16xi32, #tpu.memory_space<vmem>>, vector<16xi32>,
    %swap3A_26 = vector.shape_cast %swap3A_25 : vector<16xi32> to vector<16xi32>
    %swap3A_27 = vector.shape_cast %get3A_23 : vector<16xi32> to vector<16xi32>
    tpu.vector_store %arg11[%swap3A_24], %swap3A_27 {strides = array<i32>} : memref<16xi32, #tpu.memory_space<vmem>>, vector<16xi32>,
    %dma_start3A = arith.constant 0 : i32
    %dma_start3A_28 = arith.constant 0 : i32
    %dma_start3A_29 = tpu.memref_slice %arg2[%dma_start3A, %dma_start3A_28] : memref<10000x16xf32, #tpu.memory_space<hbm>> -> memref<10000x16xf32, #tpu.memory_space<hbm>>
    tpu.enqueue_indirect_dma source(%dma_start3A_29 : memref<10000x16xf32, #tpu.memory_space<hbm>>) target(%arg13 : memref<16x16xf32, #tpu.memory_space<vmem>>) offsets(%arg10 : memref<16xi32, #tpu.memory_space<vmem>>) semaphore(%arg16 : memref<!tpu.dma_semaphore, #tpu.memory_space<semaphore_mem>>)
    %dma_wait3A = arith.constant 0 : i32
    %dma_wait3A_30 = arith.constant 0 : i32
    %dma_wait3A_31 = tpu.memref_slice %arg2[%dma_wait3A, %dma_wait3A_30] : memref<10000x16xf32, #tpu.memory_space<hbm>> -> memref<10000x16xf32, #tpu.memory_space<hbm>>
    tpu.wait_indirect_dma semaphore(%arg16 : memref<!tpu.dma_semaphore, #tpu.memory_space<semaphore_mem>>) src(%dma_wait3A_31 : memref<10000x16xf32, #tpu.memory_space<hbm>>) dst(%arg13 : memref<16x16xf32, #tpu.memory_space<vmem>>)
    "tpu.region"() ({
      %run_scoped3A = tpu.sem_alloc : memref<!tpu.dma_semaphore, #tpu.memory_space<semaphore_mem>>
      %dma_start3A_37 = arith.constant 0 : i32
      %dma_start3A_38 = arith.constant 0 : i32
      %dma_start3A_39 = tpu.memref_slice %arg15[%dma_start3A_37, %dma_start3A_38] : memref<10240x16xf32, #tpu.memory_space<vmem_shared>> -> memref<10240x16xf32, #tpu.memory_space<vmem_shared>>
      tpu.enqueue_indirect_dma source(%arg13 : memref<16x16xf32, #tpu.memory_space<vmem>>) target(%dma_start3A_39 : memref<10240x16xf32, #tpu.memory_space<vmem_shared>>) offsets(%arg11 : memref<16xi32, #tpu.memory_space<vmem>>) semaphore(%run_scoped3A : memref<!tpu.dma_semaphore, #tpu.memory_space<semaphore_mem>>) {add = true}
      %dma_wait3A_40 = arith.constant 0 : i32
      %dma_wait3A_41 = arith.constant 0 : i32
      %dma_wait3A_42 = tpu.memref_slice %arg15[%dma_wait3A_40, %dma_wait3A_41] : memref<10240x16xf32, #tpu.memory_space<vmem_shared>> -> memref<10240x16xf32, #tpu.memory_space<vmem_shared>>
      tpu.wait_indirect_dma semaphore(%run_scoped3A : memref<!tpu.dma_semaphore, #tpu.memory_space<semaphore_mem>>) src(%arg13 : memref<16x16xf32, #tpu.memory_space<vmem>>) dst(%dma_wait3A_42 : memref<10240x16xf32, #tpu.memory_space<vmem_shared>>)
      tpu.yield
    }) : () -> ()
    %barrier3A_32 = arith.constant 0 : index
    tpu.barrier barrier_id(%barrier3A_32)
    %mul3A_33 = arith.constant 640 : i32
    %mul3A_34 = arith.muli %arg1, %mul3A_33 : i32
    %mul3A_35 = arith.constant 640 : i32
    %mul3A_36 = arith.muli %arg1, %mul3A_35 : i32
    "tpu.region"() ({
      %run_scoped3A = tpu.sem_alloc : memref<!tpu.dma_semaphore, #tpu.memory_space<semaphore_mem>>
      %dma_start3A_37 = arith.constant 0 : i32
      %dma_start3A_38 = tpu.memref_slice %arg5[%arg0, %mul3A_36, %dma_start3A_37] : memref<2x10240x16xf32, #tpu.memory_space<hbm>> -> memref<1x640x16xf32, #tpu.memory_space<hbm>>
      %dma_start3A_39 = tpu.memref_squeeze %dma_start3A_38 : memref<1x640x16xf32, #tpu.memory_space<hbm>> -> memref<640x16xf32, #tpu.memory_space<hbm>>
      %dma_start3A_40 = arith.constant 0 : i32
      %dma_start3A_41 = tpu.memref_slice %arg15[%mul3A_34, %dma_start3A_40] : memref<10240x16xf32, #tpu.memory_space<vmem_shared>> -> memref<640x16xf32, #tpu.memory_space<vmem_shared>>
      tpu.enqueue_dma source(%dma_start3A_41 : memref<640x16xf32, #tpu.memory_space<vmem_shared>>) target(%dma_start3A_39 : memref<640x16xf32, #tpu.memory_space<hbm>>) target_semaphore(%run_scoped3A : memref<!tpu.dma_semaphore, #tpu.memory_space<semaphore_mem>>)
      %dma_wait3A_42 = arith.constant 0 : i32
      %dma_wait3A_43 = tpu.memref_slice %arg5[%arg0, %mul3A_36, %dma_wait3A_42] : memref<2x10240x16xf32, #tpu.memory_space<hbm>> -> memref<1x640x16xf32, #tpu.memory_space<hbm>>
      %dma_wait3A_44 = tpu.memref_squeeze %dma_wait3A_43 : memref<1x640x16xf32, #tpu.memory_space<hbm>> -> memref<640x16xf32, #tpu.memory_space<hbm>>
      %dma_wait3A_45 = arith.constant 0 : i32
      %dma_wait3A_46 = tpu.memref_slice %arg15[%mul3A_34, %dma_wait3A_45] : memref<10240x16xf32, #tpu.memory_space<vmem_shared>> -> memref<640x16xf32, #tpu.memory_space<vmem_shared>>
      tpu.wait_dma2 semaphore(%run_scoped3A : memref<!tpu.dma_semaphore, #tpu.memory_space<semaphore_mem>>) src(%dma_wait3A_46 : memref<640x16xf32, #tpu.memory_space<vmem_shared>>) dst(%dma_wait3A_44 : memref<640x16xf32, #tpu.memory_space<hbm>>)
      tpu.yield
    }) : () -> ()
    return
  }
}

#map = affine_map<(d0, d1) -> (0)>
#map1 = affine_map<(d0, d1) -> (0, 0)>
module attributes {stable_mosaic.version = 14 : i64} {
  func.func @_deg_sc(%arg0: i32, %arg1: i32, %arg2: memref<320000xi32, #tpu.memory_space<hbm>>, %arg3: memref<2x10240xf32, #tpu.memory_space<hbm>>, %arg4: memref<10000xi32, #tpu.memory_space<vmem>>, %arg5: memref<128xi32, #tpu.memory_space<vmem>>, %arg6: memref<16xi32, #tpu.memory_space<vmem>>, %arg7: memref<128xf32, #tpu.memory_space<vmem>>, %arg8: memref<16xf32, #tpu.memory_space<vmem>>, %arg9: memref<640xf32, #tpu.memory_space<vmem>>, %arg10: memref<10240xf32, #tpu.memory_space<vmem_shared>>) attributes {dimension_semantics = [#tpu.dimension_semantics<core_parallel>, #tpu.dimension_semantics<subcore_parallel>], iteration_bounds = array<i64: 2, 16>, scalar_prefetch = 0 : i64, scratch_operands = 7 : i64, tpu.core_type = #tpu.core_type<sc_vector_subcore>, window_params = [{transform_indices = #map}, {transform_indices = #map1}]} {
    %mul3A = arith.constant 2 : i32
    %mul3A_0 = arith.muli %arg1, %mul3A : i32
    %add3A = arith.addi %mul3A_0, %arg0 : i32
    %scan3A = arith.constant 0 : i32
    %scan3A_1 = arith.constant 40 : i32
    %scan3A_2 = arith.addi %scan3A, %scan3A_1 : i32
    %scan3A_3 = arith.constant 1 : i32
    scf.for %scan3A_77 = %scan3A to %scan3A_2 step %scan3A_3  : i32 {
      %broadcast_in_dim3A_78 = arith.constant 0.000000e+00 : f32
      %broadcast_in_dim3A_79 = vector.broadcast %broadcast_in_dim3A_78 : f32 to vector<16xf32>
      %mul3A_80 = arith.constant 16 : i32
      %mul3A_81 = arith.muli %scan3A_77, %mul3A_80 : i32
      %swap3A_82 = arith.index_cast %mul3A_81 : i32 to index
      %swap3A_83 = tpu.vector_load %arg9[%swap3A_82] {strides = array<i32>} : memref<640xf32, #tpu.memory_space<vmem>>, vector<16xf32>,
      %swap3A_84 = vector.shape_cast %swap3A_83 : vector<16xf32> to vector<16xf32>
      %swap3A_85 = vector.shape_cast %broadcast_in_dim3A_79 : vector<16xf32> to vector<16xf32>
      tpu.vector_store %arg9[%swap3A_82], %swap3A_85 {strides = array<i32>} : memref<640xf32, #tpu.memory_space<vmem>>, vector<16xf32>,
    }
    %scan3A_4 = arith.constant 40 : i32
    %broadcast_in_dim3A = arith.constant 1.000000e+00 : f32
    %broadcast_in_dim3A_5 = vector.broadcast %broadcast_in_dim3A : f32 to vector<16xf32>
    %swap3A = arith.constant 0 : index
    %swap3A_6 = tpu.vector_load %arg7[%swap3A] {strides = array<i32>} : memref<128xf32, #tpu.memory_space<vmem>>, vector<16xf32>,
    %swap3A_7 = vector.shape_cast %swap3A_6 : vector<16xf32> to vector<16xf32>
    %swap3A_8 = vector.shape_cast %broadcast_in_dim3A_5 : vector<16xf32> to vector<16xf32>
    tpu.vector_store %arg7[%swap3A], %swap3A_8 {strides = array<i32>} : memref<128xf32, #tpu.memory_space<vmem>>, vector<16xf32>,
    %broadcast_in_dim3A_9 = arith.constant 1.000000e+00 : f32
    %broadcast_in_dim3A_10 = vector.broadcast %broadcast_in_dim3A_9 : f32 to vector<16xf32>
    %swap3A_11 = arith.constant 16 : index
    %swap3A_12 = tpu.vector_load %arg7[%swap3A_11] {strides = array<i32>} : memref<128xf32, #tpu.memory_space<vmem>>, vector<16xf32>,
    %swap3A_13 = vector.shape_cast %swap3A_12 : vector<16xf32> to vector<16xf32>
    %swap3A_14 = vector.shape_cast %broadcast_in_dim3A_10 : vector<16xf32> to vector<16xf32>
    tpu.vector_store %arg7[%swap3A_11], %swap3A_14 {strides = array<i32>} : memref<128xf32, #tpu.memory_space<vmem>>, vector<16xf32>,
    %broadcast_in_dim3A_15 = arith.constant 1.000000e+00 : f32
    %broadcast_in_dim3A_16 = vector.broadcast %broadcast_in_dim3A_15 : f32 to vector<16xf32>
    %swap3A_17 = arith.constant 32 : index
    %swap3A_18 = tpu.vector_load %arg7[%swap3A_17] {strides = array<i32>} : memref<128xf32, #tpu.memory_space<vmem>>, vector<16xf32>,
    %swap3A_19 = vector.shape_cast %swap3A_18 : vector<16xf32> to vector<16xf32>
    %swap3A_20 = vector.shape_cast %broadcast_in_dim3A_16 : vector<16xf32> to vector<16xf32>
    tpu.vector_store %arg7[%swap3A_17], %swap3A_20 {strides = array<i32>} : memref<128xf32, #tpu.memory_space<vmem>>, vector<16xf32>,
    %broadcast_in_dim3A_21 = arith.constant 1.000000e+00 : f32
    %broadcast_in_dim3A_22 = vector.broadcast %broadcast_in_dim3A_21 : f32 to vector<16xf32>
    %swap3A_23 = arith.constant 48 : index
    %swap3A_24 = tpu.vector_load %arg7[%swap3A_23] {strides = array<i32>} : memref<128xf32, #tpu.memory_space<vmem>>, vector<16xf32>,
    %swap3A_25 = vector.shape_cast %swap3A_24 : vector<16xf32> to vector<16xf32>
    %swap3A_26 = vector.shape_cast %broadcast_in_dim3A_22 : vector<16xf32> to vector<16xf32>
    tpu.vector_store %arg7[%swap3A_23], %swap3A_26 {strides = array<i32>} : memref<128xf32, #tpu.memory_space<vmem>>, vector<16xf32>,
    %broadcast_in_dim3A_27 = arith.constant 1.000000e+00 : f32
    %broadcast_in_dim3A_28 = vector.broadcast %broadcast_in_dim3A_27 : f32 to vector<16xf32>
    %swap3A_29 = arith.constant 64 : index
    %swap3A_30 = tpu.vector_load %arg7[%swap3A_29] {strides = array<i32>} : memref<128xf32, #tpu.memory_space<vmem>>, vector<16xf32>,
    %swap3A_31 = vector.shape_cast %swap3A_30 : vector<16xf32> to vector<16xf32>
    %swap3A_32 = vector.shape_cast %broadcast_in_dim3A_28 : vector<16xf32> to vector<16xf32>
    tpu.vector_store %arg7[%swap3A_29], %swap3A_32 {strides = array<i32>} : memref<128xf32, #tpu.memory_space<vmem>>, vector<16xf32>,
    %broadcast_in_dim3A_33 = arith.constant 1.000000e+00 : f32
    %broadcast_in_dim3A_34 = vector.broadcast %broadcast_in_dim3A_33 : f32 to vector<16xf32>
    %swap3A_35 = arith.constant 80 : index
    %swap3A_36 = tpu.vector_load %arg7[%swap3A_35] {strides = array<i32>} : memref<128xf32, #tpu.memory_space<vmem>>, vector<16xf32>,
    %swap3A_37 = vector.shape_cast %swap3A_36 : vector<16xf32> to vector<16xf32>
    %swap3A_38 = vector.shape_cast %broadcast_in_dim3A_34 : vector<16xf32> to vector<16xf32>
    tpu.vector_store %arg7[%swap3A_35], %swap3A_38 {strides = array<i32>} : memref<128xf32, #tpu.memory_space<vmem>>, vector<16xf32>,
    %broadcast_in_dim3A_39 = arith.constant 1.000000e+00 : f32
    %broadcast_in_dim3A_40 = vector.broadcast %broadcast_in_dim3A_39 : f32 to vector<16xf32>
    %swap3A_41 = arith.constant 96 : index
    %swap3A_42 = tpu.vector_load %arg7[%swap3A_41] {strides = array<i32>} : memref<128xf32, #tpu.memory_space<vmem>>, vector<16xf32>,
    %swap3A_43 = vector.shape_cast %swap3A_42 : vector<16xf32> to vector<16xf32>
    %swap3A_44 = vector.shape_cast %broadcast_in_dim3A_40 : vector<16xf32> to vector<16xf32>
    tpu.vector_store %arg7[%swap3A_41], %swap3A_44 {strides = array<i32>} : memref<128xf32, #tpu.memory_space<vmem>>, vector<16xf32>,
    %broadcast_in_dim3A_45 = arith.constant 1.000000e+00 : f32
    %broadcast_in_dim3A_46 = vector.broadcast %broadcast_in_dim3A_45 : f32 to vector<16xf32>
    %swap3A_47 = arith.constant 112 : index
    %swap3A_48 = tpu.vector_load %arg7[%swap3A_47] {strides = array<i32>} : memref<128xf32, #tpu.memory_space<vmem>>, vector<16xf32>,
    %swap3A_49 = vector.shape_cast %swap3A_48 : vector<16xf32> to vector<16xf32>
    %swap3A_50 = vector.shape_cast %broadcast_in_dim3A_46 : vector<16xf32> to vector<16xf32>
    tpu.vector_store %arg7[%swap3A_47], %swap3A_50 {strides = array<i32>} : memref<128xf32, #tpu.memory_space<vmem>>, vector<16xf32>,
    %broadcast_in_dim3A_51 = arith.constant 1.000000e+00 : f32
    %broadcast_in_dim3A_52 = vector.broadcast %broadcast_in_dim3A_51 : f32 to vector<16xf32>
    %swap3A_53 = arith.constant 0 : index
    %swap3A_54 = tpu.vector_load %arg8[%swap3A_53] {strides = array<i32>} : memref<16xf32, #tpu.memory_space<vmem>>, vector<16xf32>,
    %swap3A_55 = vector.shape_cast %swap3A_54 : vector<16xf32> to vector<16xf32>
    %swap3A_56 = vector.shape_cast %broadcast_in_dim3A_52 : vector<16xf32> to vector<16xf32>
    tpu.vector_store %arg8[%swap3A_53], %swap3A_56 {strides = array<i32>} : memref<16xf32, #tpu.memory_space<vmem>>, vector<16xf32>,
    %mul3A_57 = arith.constant 640 : i32
    %mul3A_58 = arith.muli %arg1, %mul3A_57 : i32
    "tpu.region"() ({
      %run_scoped3A = tpu.sem_alloc : memref<!tpu.dma_semaphore, #tpu.memory_space<semaphore_mem>>
      %dma_start3A = tpu.memref_slice %arg10[%mul3A_58] : memref<10240xf32, #tpu.memory_space<vmem_shared>> -> memref<640xf32, #tpu.memory_space<vmem_shared>>
      %dma_start3A_77 = tpu.memref_slice %arg10[%mul3A_58] : memref<10240xf32, #tpu.memory_space<vmem_shared>> -> memref<640xf32, #tpu.memory_space<vmem_shared>>
      tpu.enqueue_dma source(%arg9 : memref<640xf32, #tpu.memory_space<vmem>>) target(%dma_start3A_77 : memref<640xf32, #tpu.memory_space<vmem_shared>>) target_semaphore(%run_scoped3A : memref<!tpu.dma_semaphore, #tpu.memory_space<semaphore_mem>>)
      %dma_wait3A = tpu.memref_slice %arg10[%mul3A_58] : memref<10240xf32, #tpu.memory_space<vmem_shared>> -> memref<640xf32, #tpu.memory_space<vmem_shared>>
      %dma_wait3A_78 = tpu.memref_slice %arg10[%mul3A_58] : memref<10240xf32, #tpu.memory_space<vmem_shared>> -> memref<640xf32, #tpu.memory_space<vmem_shared>>
      tpu.wait_dma2 semaphore(%run_scoped3A : memref<!tpu.dma_semaphore, #tpu.memory_space<semaphore_mem>>) src(%arg9 : memref<640xf32, #tpu.memory_space<vmem>>) dst(%dma_wait3A_78 : memref<640xf32, #tpu.memory_space<vmem_shared>>)
      tpu.yield
    }) : () -> ()
    %barrier3A = arith.constant 0 : index
    tpu.barrier barrier_id(%barrier3A)
    %mul3A_59 = arith.constant 10000 : i32
    %mul3A_60 = arith.muli %add3A, %mul3A_59 : i32
    "tpu.region"() ({
      %run_scoped3A = tpu.sem_alloc : memref<!tpu.dma_semaphore, #tpu.memory_space<semaphore_mem>>
      %dma_start3A = tpu.memref_slice %arg2[%mul3A_60] : memref<320000xi32, #tpu.memory_space<hbm>> -> memref<10000xi32, #tpu.memory_space<hbm>>
      %dma_start3A_77 = tpu.memref_slice %arg2[%mul3A_60] : memref<320000xi32, #tpu.memory_space<hbm>> -> memref<10000xi32, #tpu.memory_space<hbm>>
      tpu.enqueue_dma source(%dma_start3A_77 : memref<10000xi32, #tpu.memory_space<hbm>>) target(%arg4 : memref<10000xi32, #tpu.memory_space<vmem>>) target_semaphore(%run_scoped3A : memref<!tpu.dma_semaphore, #tpu.memory_space<semaphore_mem>>)
      %dma_wait3A = tpu.memref_slice %arg2[%mul3A_60] : memref<320000xi32, #tpu.memory_space<hbm>> -> memref<10000xi32, #tpu.memory_space<hbm>>
      %dma_wait3A_78 = tpu.memref_slice %arg2[%mul3A_60] : memref<320000xi32, #tpu.memory_space<hbm>> -> memref<10000xi32, #tpu.memory_space<hbm>>
      tpu.wait_dma2 semaphore(%run_scoped3A : memref<!tpu.dma_semaphore, #tpu.memory_space<semaphore_mem>>) src(%dma_wait3A_78 : memref<10000xi32, #tpu.memory_space<hbm>>) dst(%arg4 : memref<10000xi32, #tpu.memory_space<vmem>>)
      tpu.yield
    }) : () -> ()
    %scan3A_61 = arith.constant 0 : i32
    %scan3A_62 = arith.constant 78 : i32
    %scan3A_63 = arith.addi %scan3A_61, %scan3A_62 : i32
    %scan3A_64 = arith.constant 1 : i32
    scf.for %scan3A_77 = %scan3A_61 to %scan3A_63 step %scan3A_64  : i32 {
      %mul3A_78 = arith.constant 128 : i32
      %mul3A_79 = arith.muli %scan3A_77, %mul3A_78 : i32
      %add3A_80 = arith.constant 0 : i32
      %add3A_81 = arith.addi %mul3A_79, %add3A_80 : i32
      %get3A_82 = arith.index_cast %add3A_81 : i32 to index
      %get3A_83 = tpu.vector_load %arg4[%get3A_82] {strides = array<i32>} : memref<10000xi32, #tpu.memory_space<vmem>>, vector<16xi32>,
      %get3A_84 = vector.shape_cast %get3A_83 : vector<16xi32> to vector<16xi32>
      %swap3A_85 = arith.constant 0 : index
      %swap3A_86 = tpu.vector_load %arg5[%swap3A_85] {strides = array<i32>} : memref<128xi32, #tpu.memory_space<vmem>>, vector<16xi32>,
      %swap3A_87 = vector.shape_cast %swap3A_86 : vector<16xi32> to vector<16xi32>
      %swap3A_88 = vector.shape_cast %get3A_84 : vector<16xi32> to vector<16xi32>
      tpu.vector_store %arg5[%swap3A_85], %swap3A_88 {strides = array<i32>} : memref<128xi32, #tpu.memory_space<vmem>>, vector<16xi32>,
      %mul3A_89 = arith.constant 128 : i32
      %mul3A_90 = arith.muli %scan3A_77, %mul3A_89 : i32
      %add3A_91 = arith.constant 16 : i32
      %add3A_92 = arith.addi %mul3A_90, %add3A_91 : i32
      %get3A_93 = arith.index_cast %add3A_92 : i32 to index
      %get3A_94 = tpu.vector_load %arg4[%get3A_93] {strides = array<i32>} : memref<10000xi32, #tpu.memory_space<vmem>>, vector<16xi32>,
      %get3A_95 = vector.shape_cast %get3A_94 : vector<16xi32> to vector<16xi32>
      %swap3A_96 = arith.constant 16 : index
      %swap3A_97 = tpu.vector_load %arg5[%swap3A_96] {strides = array<i32>} : memref<128xi32, #tpu.memory_space<vmem>>, vector<16xi32>,
      %swap3A_98 = vector.shape_cast %swap3A_97 : vector<16xi32> to vector<16xi32>
      %swap3A_99 = vector.shape_cast %get3A_95 : vector<16xi32> to vector<16xi32>
      tpu.vector_store %arg5[%swap3A_96], %swap3A_99 {strides = array<i32>} : memref<128xi32, #tpu.memory_space<vmem>>, vector<16xi32>,
      %mul3A_100 = arith.constant 128 : i32
      %mul3A_101 = arith.muli %scan3A_77, %mul3A_100 : i32
      %add3A_102 = arith.constant 32 : i32
      %add3A_103 = arith.addi %mul3A_101, %add3A_102 : i32
      %get3A_104 = arith.index_cast %add3A_103 : i32 to index
      %get3A_105 = tpu.vector_load %arg4[%get3A_104] {strides = array<i32>} : memref<10000xi32, #tpu.memory_space<vmem>>, vector<16xi32>,
      %get3A_106 = vector.shape_cast %get3A_105 : vector<16xi32> to vector<16xi32>
      %swap3A_107 = arith.constant 32 : index
      %swap3A_108 = tpu.vector_load %arg5[%swap3A_107] {strides = array<i32>} : memref<128xi32, #tpu.memory_space<vmem>>, vector<16xi32>,
      %swap3A_109 = vector.shape_cast %swap3A_108 : vector<16xi32> to vector<16xi32>
      %swap3A_110 = vector.shape_cast %get3A_106 : vector<16xi32> to vector<16xi32>
      tpu.vector_store %arg5[%swap3A_107], %swap3A_110 {strides = array<i32>} : memref<128xi32, #tpu.memory_space<vmem>>, vector<16xi32>,
      %mul3A_111 = arith.constant 128 : i32
      %mul3A_112 = arith.muli %scan3A_77, %mul3A_111 : i32
      %add3A_113 = arith.constant 48 : i32
      %add3A_114 = arith.addi %mul3A_112, %add3A_113 : i32
      %get3A_115 = arith.index_cast %add3A_114 : i32 to index
      %get3A_116 = tpu.vector_load %arg4[%get3A_115] {strides = array<i32>} : memref<10000xi32, #tpu.memory_space<vmem>>, vector<16xi32>,
      %get3A_117 = vector.shape_cast %get3A_116 : vector<16xi32> to vector<16xi32>
      %swap3A_118 = arith.constant 48 : index
      %swap3A_119 = tpu.vector_load %arg5[%swap3A_118] {strides = array<i32>} : memref<128xi32, #tpu.memory_space<vmem>>, vector<16xi32>,
      %swap3A_120 = vector.shape_cast %swap3A_119 : vector<16xi32> to vector<16xi32>
      %swap3A_121 = vector.shape_cast %get3A_117 : vector<16xi32> to vector<16xi32>
      tpu.vector_store %arg5[%swap3A_118], %swap3A_121 {strides = array<i32>} : memref<128xi32, #tpu.memory_space<vmem>>, vector<16xi32>,
      %mul3A_122 = arith.constant 128 : i32
      %mul3A_123 = arith.muli %scan3A_77, %mul3A_122 : i32
      %add3A_124 = arith.constant 64 : i32
      %add3A_125 = arith.addi %mul3A_123, %add3A_124 : i32
      %get3A_126 = arith.index_cast %add3A_125 : i32 to index
      %get3A_127 = tpu.vector_load %arg4[%get3A_126] {strides = array<i32>} : memref<10000xi32, #tpu.memory_space<vmem>>, vector<16xi32>,
      %get3A_128 = vector.shape_cast %get3A_127 : vector<16xi32> to vector<16xi32>
      %swap3A_129 = arith.constant 64 : index
      %swap3A_130 = tpu.vector_load %arg5[%swap3A_129] {strides = array<i32>} : memref<128xi32, #tpu.memory_space<vmem>>, vector<16xi32>,
      %swap3A_131 = vector.shape_cast %swap3A_130 : vector<16xi32> to vector<16xi32>
      %swap3A_132 = vector.shape_cast %get3A_128 : vector<16xi32> to vector<16xi32>
      tpu.vector_store %arg5[%swap3A_129], %swap3A_132 {strides = array<i32>} : memref<128xi32, #tpu.memory_space<vmem>>, vector<16xi32>,
      %mul3A_133 = arith.constant 128 : i32
      %mul3A_134 = arith.muli %scan3A_77, %mul3A_133 : i32
      %add3A_135 = arith.constant 80 : i32
      %add3A_136 = arith.addi %mul3A_134, %add3A_135 : i32
      %get3A_137 = arith.index_cast %add3A_136 : i32 to index
      %get3A_138 = tpu.vector_load %arg4[%get3A_137] {strides = array<i32>} : memref<10000xi32, #tpu.memory_space<vmem>>, vector<16xi32>,
      %get3A_139 = vector.shape_cast %get3A_138 : vector<16xi32> to vector<16xi32>
      %swap3A_140 = arith.constant 80 : index
      %swap3A_141 = tpu.vector_load %arg5[%swap3A_140] {strides = array<i32>} : memref<128xi32, #tpu.memory_space<vmem>>, vector<16xi32>,
      %swap3A_142 = vector.shape_cast %swap3A_141 : vector<16xi32> to vector<16xi32>
      %swap3A_143 = vector.shape_cast %get3A_139 : vector<16xi32> to vector<16xi32>
      tpu.vector_store %arg5[%swap3A_140], %swap3A_143 {strides = array<i32>} : memref<128xi32, #tpu.memory_space<vmem>>, vector<16xi32>,
      %mul3A_144 = arith.constant 128 : i32
      %mul3A_145 = arith.muli %scan3A_77, %mul3A_144 : i32
      %add3A_146 = arith.constant 96 : i32
      %add3A_147 = arith.addi %mul3A_145, %add3A_146 : i32
      %get3A_148 = arith.index_cast %add3A_147 : i32 to index
      %get3A_149 = tpu.vector_load %arg4[%get3A_148] {strides = array<i32>} : memref<10000xi32, #tpu.memory_space<vmem>>, vector<16xi32>,
      %get3A_150 = vector.shape_cast %get3A_149 : vector<16xi32> to vector<16xi32>
      %swap3A_151 = arith.constant 96 : index
      %swap3A_152 = tpu.vector_load %arg5[%swap3A_151] {strides = array<i32>} : memref<128xi32, #tpu.memory_space<vmem>>, vector<16xi32>,
      %swap3A_153 = vector.shape_cast %swap3A_152 : vector<16xi32> to vector<16xi32>
      %swap3A_154 = vector.shape_cast %get3A_150 : vector<16xi32> to vector<16xi32>
      tpu.vector_store %arg5[%swap3A_151], %swap3A_154 {strides = array<i32>} : memref<128xi32, #tpu.memory_space<vmem>>, vector<16xi32>,
      %mul3A_155 = arith.constant 128 : i32
      %mul3A_156 = arith.muli %scan3A_77, %mul3A_155 : i32
      %add3A_157 = arith.constant 112 : i32
      %add3A_158 = arith.addi %mul3A_156, %add3A_157 : i32
      %get3A_159 = arith.index_cast %add3A_158 : i32 to index
      %get3A_160 = tpu.vector_load %arg4[%get3A_159] {strides = array<i32>} : memref<10000xi32, #tpu.memory_space<vmem>>, vector<16xi32>,
      %get3A_161 = vector.shape_cast %get3A_160 : vector<16xi32> to vector<16xi32>
      %swap3A_162 = arith.constant 112 : index
      %swap3A_163 = tpu.vector_load %arg5[%swap3A_162] {strides = array<i32>} : memref<128xi32, #tpu.memory_space<vmem>>, vector<16xi32>,
      %swap3A_164 = vector.shape_cast %swap3A_163 : vector<16xi32> to vector<16xi32>
      %swap3A_165 = vector.shape_cast %get3A_161 : vector<16xi32> to vector<16xi32>
      tpu.vector_store %arg5[%swap3A_162], %swap3A_165 {strides = array<i32>} : memref<128xi32, #tpu.memory_space<vmem>>, vector<16xi32>,
      "tpu.region"() ({
        %run_scoped3A = tpu.sem_alloc : memref<!tpu.dma_semaphore, #tpu.memory_space<semaphore_mem>>
        %dma_start3A = arith.constant 0 : i32
        %dma_start3A_166 = tpu.memref_slice %arg10[%dma_start3A] : memref<10240xf32, #tpu.memory_space<vmem_shared>> -> memref<10240xf32, #tpu.memory_space<vmem_shared>>
        tpu.enqueue_indirect_dma source(%arg7 : memref<128xf32, #tpu.memory_space<vmem>>) target(%dma_start3A_166 : memref<10240xf32, #tpu.memory_space<vmem_shared>>) offsets(%arg5 : memref<128xi32, #tpu.memory_space<vmem>>) semaphore(%run_scoped3A : memref<!tpu.dma_semaphore, #tpu.memory_space<semaphore_mem>>) {add = true}
        %dma_wait3A = arith.constant 0 : i32
        %dma_wait3A_167 = tpu.memref_slice %arg10[%dma_wait3A] : memref<10240xf32, #tpu.memory_space<vmem_shared>> -> memref<10240xf32, #tpu.memory_space<vmem_shared>>
        tpu.wait_indirect_dma semaphore(%run_scoped3A : memref<!tpu.dma_semaphore, #tpu.memory_space<semaphore_mem>>) src(%arg7 : memref<128xf32, #tpu.memory_space<vmem>>) dst(%dma_wait3A_167 : memref<10240xf32, #tpu.memory_space<vmem_shared>>)
        tpu.yield
      }) : () -> ()
    }
    %scan3A_65 = arith.constant 78 : i32
    %get3A = arith.constant 9984 : index
    %get3A_66 = tpu.vector_load %arg4[%get3A] {strides = array<i32>} : memref<10000xi32, #tpu.memory_space<vmem>>, vector<16xi32>,
    %get3A_67 = vector.shape_cast %get3A_66 : vector<16xi32> to vector<16xi32>
    %swap3A_68 = arith.constant 0 : index
    %swap3A_69 = tpu.vector_load %arg6[%swap3A_68] {strides = array<i32>} : memref<16xi32, #tpu.memory_space<vmem>>, vector<16xi32>,
    %swap3A_70 = vector.shape_cast %swap3A_69 : vector<16xi32> to vector<16xi32>
    %swap3A_71 = vector.shape_cast %get3A_67 : vector<16xi32> to vector<16xi32>
    tpu.vector_store %arg6[%swap3A_68], %swap3A_71 {strides = array<i32>} : memref<16xi32, #tpu.memory_space<vmem>>, vector<16xi32>,
    "tpu.region"() ({
      %run_scoped3A = tpu.sem_alloc : memref<!tpu.dma_semaphore, #tpu.memory_space<semaphore_mem>>
      %dma_start3A = arith.constant 0 : i32
      %dma_start3A_77 = tpu.memref_slice %arg10[%dma_start3A] : memref<10240xf32, #tpu.memory_space<vmem_shared>> -> memref<10240xf32, #tpu.memory_space<vmem_shared>>
      tpu.enqueue_indirect_dma source(%arg8 : memref<16xf32, #tpu.memory_space<vmem>>) target(%dma_start3A_77 : memref<10240xf32, #tpu.memory_space<vmem_shared>>) offsets(%arg6 : memref<16xi32, #tpu.memory_space<vmem>>) semaphore(%run_scoped3A : memref<!tpu.dma_semaphore, #tpu.memory_space<semaphore_mem>>) {add = true}
      %dma_wait3A = arith.constant 0 : i32
      %dma_wait3A_78 = tpu.memref_slice %arg10[%dma_wait3A] : memref<10240xf32, #tpu.memory_space<vmem_shared>> -> memref<10240xf32, #tpu.memory_space<vmem_shared>>
      tpu.wait_indirect_dma semaphore(%run_scoped3A : memref<!tpu.dma_semaphore, #tpu.memory_space<semaphore_mem>>) src(%arg8 : memref<16xf32, #tpu.memory_space<vmem>>) dst(%dma_wait3A_78 : memref<10240xf32, #tpu.memory_space<vmem_shared>>)
      tpu.yield
    }) : () -> ()
    %barrier3A_72 = arith.constant 0 : index
    tpu.barrier barrier_id(%barrier3A_72)
    %mul3A_73 = arith.constant 640 : i32
    %mul3A_74 = arith.muli %arg1, %mul3A_73 : i32
    %mul3A_75 = arith.constant 640 : i32
    %mul3A_76 = arith.muli %arg1, %mul3A_75 : i32
    "tpu.region"() ({
      %run_scoped3A = tpu.sem_alloc : memref<!tpu.dma_semaphore, #tpu.memory_space<semaphore_mem>>
      %dma_start3A = tpu.memref_slice %arg3[%arg0, %mul3A_76] : memref<2x10240xf32, #tpu.memory_space<hbm>> -> memref<1x640xf32, #tpu.memory_space<hbm>>
      %dma_start3A_77 = tpu.memref_squeeze %dma_start3A : memref<1x640xf32, #tpu.memory_space<hbm>> -> memref<640xf32, #tpu.memory_space<hbm>>
      %dma_start3A_78 = tpu.memref_slice %arg10[%mul3A_74] : memref<10240xf32, #tpu.memory_space<vmem_shared>> -> memref<640xf32, #tpu.memory_space<vmem_shared>>
      tpu.enqueue_dma source(%dma_start3A_78 : memref<640xf32, #tpu.memory_space<vmem_shared>>) target(%dma_start3A_77 : memref<640xf32, #tpu.memory_space<hbm>>) target_semaphore(%run_scoped3A : memref<!tpu.dma_semaphore, #tpu.memory_space<semaphore_mem>>)
      %dma_wait3A = tpu.memref_slice %arg3[%arg0, %mul3A_76] : memref<2x10240xf32, #tpu.memory_space<hbm>> -> memref<1x640xf32, #tpu.memory_space<hbm>>
      %dma_wait3A_79 = tpu.memref_squeeze %dma_wait3A : memref<1x640xf32, #tpu.memory_space<hbm>> -> memref<640xf32, #tpu.memory_space<hbm>>
      %dma_wait3A_80 = tpu.memref_slice %arg10[%mul3A_74] : memref<10240xf32, #tpu.memory_space<vmem_shared>> -> memref<640xf32, #tpu.memory_space<vmem_shared>>
      tpu.wait_dma2 semaphore(%run_scoped3A : memref<!tpu.dma_semaphore, #tpu.memory_space<semaphore_mem>>) src(%dma_wait3A_80 : memref<640xf32, #tpu.memory_space<vmem_shared>>) dst(%dma_wait3A_79 : memref<640xf32, #tpu.memory_space<hbm>>)
      tpu.yield
    }) : () -> ()
    return
  }
}

module attributes {stable_mosaic.version = 14 : i64} {
  func.func @_g_tc(%arg0: i32, %arg1: memref<1280x128xf32, #tpu.memory_space<vmem>>, %arg2: memref<128x16xf32, #tpu.memory_space<vmem>>, %arg3: memref<2x1280xf32, #tpu.memory_space<vmem>>, %arg4: memref<1280x16xf32, #tpu.memory_space<vmem>>) attributes {dimension_semantics = [#tpu.dimension_semantics<arbitrary>], iteration_bounds = array<i64: 8>, scalar_prefetch = 0 : i64, scratch_operands = 0 : i64, tpu.core_type = #tpu.core_type<tc>, window_params = [{transform_indices = @transform_0, window_bounds = array<i64: 1280, 128>}, {pipeline_mode = #tpu.pipeline_mode<synchronous>, transform_indices = @transform_1, window_bounds = array<i64: 128, 16>}, {transform_indices = @transform_2, window_bounds = array<i64: 2, 1280>}, {transform_indices = @transform_3, window_bounds = array<i64: 1280, 16>}]} {
    %get3A = arith.constant 0 : index
    %get3A_0 = arith.constant 0 : index
    %get3A_1 = vector.load %arg3[%get3A, %get3A_0] : memref<2x1280xf32, #tpu.memory_space<vmem>>, vector<1x1280xf32>
    %get3A_2 = vector.shape_cast %get3A_1 : vector<1x1280xf32> to vector<1280xf32>
    %get3A_3 = arith.constant 1 : index
    %get3A_4 = arith.constant 0 : index
    %get3A_5 = vector.load %arg3[%get3A_3, %get3A_4] : memref<2x1280xf32, #tpu.memory_space<vmem>>, vector<1x1280xf32>
    %get3A_6 = vector.shape_cast %get3A_5 : vector<1x1280xf32> to vector<1280xf32>
    %add3A = arith.addf %get3A_2, %get3A_6 : vector<1280xf32>
    %add3A_7 = arith.constant 1.000000e+00 : f32
    %add3A_8 = vector.broadcast %add3A_7 : f32 to vector<1280xf32>
    %add3A_9 = arith.addf %add3A, %add3A_8 : vector<1280xf32>
    %rsqrt3A = math.rsqrt %add3A_9 : vector<1280xf32>
    %get3A_10 = arith.constant 0 : index
    %get3A_11 = arith.constant 0 : index
    %get3A_12 = vector.load %arg1[%get3A_10, %get3A_11] : memref<1280x128xf32, #tpu.memory_space<vmem>>, vector<1280x128xf32>
    %get3A_13 = arith.constant 0 : index
    %get3A_14 = arith.constant 0 : index
    %get3A_15 = vector.load %arg2[%get3A_13, %get3A_14] : memref<128x16xf32, #tpu.memory_space<vmem>>, vector<128x16xf32>
    %dot_general3A = arith.constant dense<0.000000e+00> : vector<1280x16xf32>
    %dot_general3A_16 = tpu.matmul %get3A_12, %get3A_15, %dot_general3A {dimension_numbers = #tpu.dot_dimension_numbers<[1], [0], [0], [1], [0, 0, 1, 1], [], []>, transpose_lhs_hint = false} : vector<1280x128xf32>, vector<128x16xf32>, vector<1280x16xf32> -> vector<1280x16xf32>
    %broadcast_in_dim3A = vector.shape_cast %rsqrt3A : vector<1280xf32> to vector<1280x1xf32>
    %mul3A = vector.broadcast %broadcast_in_dim3A : vector<1280x1xf32> to vector<1280x16xf32>
    %mul3A_17 = arith.mulf %dot_general3A_16, %mul3A : vector<1280x16xf32>
    %swap3A = arith.constant 0 : index
    %swap3A_18 = arith.constant 0 : index
    %swap3A_19 = vector.load %arg4[%swap3A, %swap3A_18] : memref<1280x16xf32, #tpu.memory_space<vmem>>, vector<1280x16xf32>
    tpu.vector_store %arg4[%swap3A, %swap3A_18], %mul3A_17 {strides = array<i32>} : memref<1280x16xf32, #tpu.memory_space<vmem>>, vector<1280x16xf32>,
    return
  }
  func.func @transform_0(%arg0: i32) -> (i32, i32) {
    %c0_i32 = arith.constant 0 : i32
    %c0_i32_0 = arith.constant 0 : i32
    return %arg0, %c0_i32 : i32, i32
  }
  func.func @transform_1(%arg0: i32) -> (i32, i32) {
    %c0_i32 = arith.constant 0 : i32
    %c0_i32_0 = arith.constant 0 : i32
    %c0_i32_1 = arith.constant 0 : i32
    return %c0_i32, %c0_i32_0 : i32, i32
  }
  func.func @transform_2(%arg0: i32) -> (i32, i32) {
    %c0_i32 = arith.constant 0 : i32
    %c0_i32_0 = arith.constant 0 : i32
    return %c0_i32, %arg0 : i32, i32
  }
  func.func @transform_3(%arg0: i32) -> (i32, i32) {
    %c0_i32 = arith.constant 0 : i32
    %c0_i32_0 = arith.constant 0 : i32
    return %arg0, %c0_i32 : i32, i32
  }
}

module attributes {stable_mosaic.version = 14 : i64} {
  func.func @_out_tc(%arg0: i32, %arg1: memref<2x1280x16xf32, #tpu.memory_space<vmem>>, %arg2: memref<2x1280xf32, #tpu.memory_space<vmem>>, %arg3: memref<1280x16xf32, #tpu.memory_space<vmem>>, %arg4: memref<1x16xf32, #tpu.memory_space<vmem>>, %arg5: memref<16x128xf32, #tpu.memory_space<vmem>>, %arg6: memref<1x128xf32, #tpu.memory_space<vmem>>, %arg7: memref<1280x128xf32, #tpu.memory_space<vmem>>) attributes {dimension_semantics = [#tpu.dimension_semantics<arbitrary>], iteration_bounds = array<i64: 8>, scalar_prefetch = 0 : i64, scratch_operands = 0 : i64, tpu.core_type = #tpu.core_type<tc>, window_params = [{transform_indices = @transform_0, window_bounds = array<i64: 2, 1280, 16>}, {transform_indices = @transform_1, window_bounds = array<i64: 2, 1280>}, {transform_indices = @transform_2, window_bounds = array<i64: 1280, 16>}, {pipeline_mode = #tpu.pipeline_mode<synchronous>, transform_indices = @transform_3, window_bounds = array<i64: 1, 16>}, {pipeline_mode = #tpu.pipeline_mode<synchronous>, transform_indices = @transform_4, window_bounds = array<i64: 16, 128>}, {pipeline_mode = #tpu.pipeline_mode<synchronous>, transform_indices = @transform_5, window_bounds = array<i64: 1, 128>}, {transform_indices = @transform_6, window_bounds = array<i64: 1280, 128>}]} {
    %get3A = arith.constant 0 : index
    %get3A_0 = arith.constant 0 : index
    %get3A_1 = vector.load %arg2[%get3A, %get3A_0] : memref<2x1280xf32, #tpu.memory_space<vmem>>, vector<1x1280xf32>
    %get3A_2 = vector.shape_cast %get3A_1 : vector<1x1280xf32> to vector<1280xf32>
    %get3A_3 = arith.constant 1 : index
    %get3A_4 = arith.constant 0 : index
    %get3A_5 = vector.load %arg2[%get3A_3, %get3A_4] : memref<2x1280xf32, #tpu.memory_space<vmem>>, vector<1x1280xf32>
    %get3A_6 = vector.shape_cast %get3A_5 : vector<1x1280xf32> to vector<1280xf32>
    %add3A = arith.addf %get3A_2, %get3A_6 : vector<1280xf32>
    %add3A_7 = arith.constant 1.000000e+00 : f32
    %add3A_8 = vector.broadcast %add3A_7 : f32 to vector<1280xf32>
    %add3A_9 = arith.addf %add3A, %add3A_8 : vector<1280xf32>
    %rsqrt3A = math.rsqrt %add3A_9 : vector<1280xf32>
    %get3A_10 = arith.constant 0 : index
    %get3A_11 = arith.constant 0 : index
    %get3A_12 = arith.constant 0 : index
    %get3A_13 = vector.load %arg1[%get3A_10, %get3A_11, %get3A_12] : memref<2x1280x16xf32, #tpu.memory_space<vmem>>, vector<1x1280x16xf32>
    %get3A_14 = vector.shape_cast %get3A_13 : vector<1x1280x16xf32> to vector<1280x16xf32>
    %get3A_15 = arith.constant 1 : index
    %get3A_16 = arith.constant 0 : index
    %get3A_17 = arith.constant 0 : index
    %get3A_18 = vector.load %arg1[%get3A_15, %get3A_16, %get3A_17] : memref<2x1280x16xf32, #tpu.memory_space<vmem>>, vector<1x1280x16xf32>
    %get3A_19 = vector.shape_cast %get3A_18 : vector<1x1280x16xf32> to vector<1280x16xf32>
    %add3A_20 = arith.addf %get3A_14, %get3A_19 : vector<1280x16xf32>
    %get3A_21 = arith.constant 0 : index
    %get3A_22 = arith.constant 0 : index
    %get3A_23 = vector.load %arg3[%get3A_21, %get3A_22] : memref<1280x16xf32, #tpu.memory_space<vmem>>, vector<1280x16xf32>
    %add3A_24 = arith.addf %add3A_20, %get3A_23 : vector<1280x16xf32>
    %broadcast_in_dim3A = vector.shape_cast %rsqrt3A : vector<1280xf32> to vector<1280x1xf32>
    %mul3A = vector.broadcast %broadcast_in_dim3A : vector<1280x1xf32> to vector<1280x16xf32>
    %mul3A_25 = arith.mulf %add3A_24, %mul3A : vector<1280x16xf32>
    %get3A_26 = arith.constant 0 : index
    %get3A_27 = arith.constant 0 : index
    %get3A_28 = vector.load %arg4[%get3A_26, %get3A_27] : memref<1x16xf32, #tpu.memory_space<vmem>>, vector<1x16xf32>
    %add3A_29 = vector.broadcast %get3A_28 : vector<1x16xf32> to vector<1280x16xf32>
    %add3A_30 = arith.addf %mul3A_25, %add3A_29 : vector<1280x16xf32>
    %max3A = arith.constant 0.000000e+00 : f32
    %max3A_31 = vector.broadcast %max3A : f32 to vector<1280x16xf32>
    %max3A_32 = arith.maximumf %add3A_30, %max3A_31 : vector<1280x16xf32>
    %get3A_33 = arith.constant 0 : index
    %get3A_34 = arith.constant 0 : index
    %get3A_35 = vector.load %arg5[%get3A_33, %get3A_34] : memref<16x128xf32, #tpu.memory_space<vmem>>, vector<16x128xf32>
    %dot_general3A = arith.constant dense<0.000000e+00> : vector<1280x128xf32>
    %dot_general3A_36 = tpu.matmul %max3A_32, %get3A_35, %dot_general3A {dimension_numbers = #tpu.dot_dimension_numbers<[1], [0], [0], [1], [0, 0, 1, 1], [], []>, transpose_lhs_hint = false} : vector<1280x16xf32>, vector<16x128xf32>, vector<1280x128xf32> -> vector<1280x128xf32>
    %get3A_37 = arith.constant 0 : index
    %get3A_38 = arith.constant 0 : index
    %get3A_39 = vector.load %arg6[%get3A_37, %get3A_38] : memref<1x128xf32, #tpu.memory_space<vmem>>, vector<1x128xf32>
    %add3A_40 = vector.broadcast %get3A_39 : vector<1x128xf32> to vector<1280x128xf32>
    %add3A_41 = arith.addf %dot_general3A_36, %add3A_40 : vector<1280x128xf32>
    %swap3A = arith.constant 0 : index
    %swap3A_42 = arith.constant 0 : index
    %swap3A_43 = vector.load %arg7[%swap3A, %swap3A_42] : memref<1280x128xf32, #tpu.memory_space<vmem>>, vector<1280x128xf32>
    tpu.vector_store %arg7[%swap3A, %swap3A_42], %add3A_41 {strides = array<i32>} : memref<1280x128xf32, #tpu.memory_space<vmem>>, vector<1280x128xf32>,
    return
  }
  func.func @transform_0(%arg0: i32) -> (i32, i32, i32) {
    %c0_i32 = arith.constant 0 : i32
    %c0_i32_0 = arith.constant 0 : i32
    %c0_i32_1 = arith.constant 0 : i32
    return %c0_i32, %arg0, %c0_i32_0 : i32, i32, i32
  }
  func.func @transform_1(%arg0: i32) -> (i32, i32) {
    %c0_i32 = arith.constant 0 : i32
    %c0_i32_0 = arith.constant 0 : i32
    return %c0_i32, %arg0 : i32, i32
  }
  func.func @transform_2(%arg0: i32) -> (i32, i32) {
    %c0_i32 = arith.constant 0 : i32
    %c0_i32_0 = arith.constant 0 : i32
    return %arg0, %c0_i32 : i32, i32
  }
  func.func @transform_3(%arg0: i32) -> (i32, i32) {
    %c0_i32 = arith.constant 0 : i32
    %c0_i32_0 = arith.constant 0 : i32
    %c0_i32_1 = arith.constant 0 : i32
    return %c0_i32, %c0_i32_0 : i32, i32
  }
  func.func @transform_4(%arg0: i32) -> (i32, i32) {
    %c0_i32 = arith.constant 0 : i32
    %c0_i32_0 = arith.constant 0 : i32
    %c0_i32_1 = arith.constant 0 : i32
    return %c0_i32, %c0_i32_0 : i32, i32
  }
  func.func @transform_5(%arg0: i32) -> (i32, i32) {
    %c0_i32 = arith.constant 0 : i32
    %c0_i32_0 = arith.constant 0 : i32
    %c0_i32_1 = arith.constant 0 : i32
    return %c0_i32, %c0_i32_0 : i32, i32
  }
  func.func @transform_6(%arg0: i32) -> (i32, i32) {
    %c0_i32 = arith.constant 0 : i32
    %c0_i32_0 = arith.constant 0 : i32
    return %arg0, %c0_i32 : i32, i32
  }
}

</mosaic_0001>

<sc_bundles>
// kernel: kernel.6.cloned.1.call-start
scs
__scs_entry_jumppad:
0x0: {  	(pc) =	sbr.rel $0x88, $3  }
0x1: {  	(tag) =	ssettag $0x0;
	lr =	simm.s32 $0x1  }
0x2: {  	[smem:$0x3F9B] =	sst lr;
	_ =	strace $0xD0000000  }
0x3: {  	_ = 	snop  }
0x4: {  	_ = 	snop  }
0x5: {  	_ = 	snop  }
0x6: {  	_ = 	snop  }
0x7: {  	_ = 	snop  }
__scs_overlays_trampoline_lowered:
0x8: {  	[smem:$0x3FAA] =	sst s0  }
0x9: {  	[smem:$0x3FAB] =	sst s1  }
0xa: {  	[smem:$0x3FAC] =	sst s2  }
0xb: {  	[smem:$0x3FAD] =	sst s3  }
0xc: {  	[smem:$0x3FAE] =	sst s4  }
0xd: {  	[smem:$0x3FAF] =	sst s5  }
0xe: {  	[smem:$0x3FB0] =	sst s6  }
0xf: {  	[smem:$0x3FB1] =	sst s7  }
0x10: {  	[smem:$0x3FB2] =	sst s8  }
0x11: {  	[smem:$0x3FB3] =	sst s9;
	s0 =	simm.s32 @!p0 $0x0  }
0x12: {  	s1 =	sld [smem:$0x3F99];
	s0 =	simm.s32 @p0 $0x1  }
0x13: {  	[smem:$0x3FB4] =	sst s0;
	s0 =	simm.s32 @!p1 $0x0  }
0x14: {  	s2 =	sld [smem:$0x3F98];
	s0 =	simm.s32 @p1 $0x1  }
0x15: {  	[smem:$0x3FB5] =	sst s0;
	s0 =	simm.s32 @!p2 $0x0  }
0x16: {  	s3 =	sld [smem:$0x3FDB];
	s0 =	simm.s32 @p2 $0x1  }
0x17: {  	s4 =	simm.s32 $0x1BF5;
	[smem:$0x3FB7] =	sst s0  }
0x18: {  	s0 =	sld [smem:$0x3F9A];
	_ =	swait.ge [sflag:s4], $0x0  }
0x19: {  	s7 =	sld [smem:$0x3F9B]  }
0x1a: {  	s8 =	sadd.s32 $0xFFFFE003, lr  }
0x1b: {  	s9 =	sadd.s32 $0xFFFFFEF7, lr;
	s5 =	simm.s32 $0xFFFFFFFF;
	p2 =	slt.u32 s8, $0xFFFFF086  }
0x1c: {  	p1 =	slt.u32 s9, $0xF7A;
	s5 =	simm.s32 @!p2 $0x0  }
0x1d: {  	s5 =	simm.s32 @p1 $0x1;
	p0 =	seq.s32 s7, s2  }
0x1e: {  	s7 =	smul.u32 @!p0 $0xF7A, s2;
	p2 =	seq.s32 @!p0 s5, $0x0  }
0x1f: {  	s9 =	smul.u32 $0xF7A, s1;
	s8 =	simm.s32 @!p0 $0x1BF5;
	p2 =	por !p2, p0  }
0x20: {  	[sflag:s8] =	ssyncset.s32 @!p0 $0xFFFFF086;
	s6 =	sadd.s32 @!p0 s3, s7;
	s7 =	simm.s32 @!p0 $0x108  }
0x21: {  	s3 =	sadd.s32 s3, s9;
	s6 =	sadd.s32 @!p0 $0x88, s6;
	s7 =	simm.s32 @p2 $0x1082  }
0x22: {  	[simem:s7], [sflag:s8] =	dma.local @!p0 [hbm:s6], $0xF7A  }
0x23: {  	s9 =	sor.u32 $0xD0000000, s2;
	s6 =	simm.s32 $0x108;
	_ =	swait.ge @!p0 [sflag:s8], $0x0  }
0x24: {  	s3 =	sadd.s32 $0x88, s3;
	s6 =	simm.s32 @!p1 $0x1082;
	[sflag:s4] =	ssyncset.s32 $0xFFFFF086  }
0x25: {  	[simem:s6], [sflag:s4] =	dma.local [hbm:s3], $0xF7A  }
0x26: {  	[smem:$0x3F9B] =	sst s1;
	(tag) =	ssettag s2;
	_ =	strace s9  }
0x27: {  	s1 =	sld [smem:$0x3FAB]  }
0x28: {  	s2 =	sld [smem:$0x3FAC]  }
0x29: {  	s4 =	sld [smem:$0x3FAE]  }
0x2a: {  	p0 =	seq.s32 s5, $0x0;
	s5 =	sld [smem:$0x3FAF]  }
0x2b: {  	s6 =	sld [smem:$0x3FB0]  }
0x2c: {  	s7 =	sld [smem:$0x3FB1]  }
0x2d: {  	s3 =	simm.s32 $0x108;
	s8 =	sld [smem:$0x3FB2]  }
0x2e: {  	s3 =	simm.s32 @!p0 $0x1082;
	s9 =	sld [smem:$0x3FB3]  }
0x2f: {  	lr =	sadd.s32 s0, s3;
	s0 =	sld [smem:$0x3FAA]  }
0x30: {  	s3 =	sld [smem:$0x3FAD]  }
0x31: {  	[smem:$0x3FB6] =	sst s10  }
0x32: {  	s10 =	sld [smem:$0x3FB4];
	_ =	sdelay $0x3  }
0x33: {  	p0 =	seq.s32 s10, $0x1;
	s10 =	sld [smem:$0x3FB6];
	_ =	sdelay $0x3  }
0x34: {  	[smem:$0x3FB6] =	sst s10  }
0x35: {  	s10 =	sld [smem:$0x3FB5];
	_ =	sdelay $0x3  }
0x36: {  	p1 =	seq.s32 s10, $0x1;
	s10 =	sld [smem:$0x3FB6];
	_ =	sdelay $0x3  }
0x37: {  	[smem:$0x3FB6] =	sst s10  }
0x38: {  	s10 =	sld [smem:$0x3FB7]  }
0x39: {  	_ = 	snop;
	(pc) =	sbr.ind lr, $3  }
0x3a: {  	_ = 	snop  }
0x3b: {  	_ = 	snop  }
0x3c: {  	p2 =	seq.s32 s10, $0x1;
	s10 =	sld [smem:$0x3FB6]  }
0x3d: {  	_ =	shalt  }
0x3e: {  	_ =	shalt  }
0x3f: {  	_ =	shalt  }
0x40: {  	_ =	shalt  }
0x41: {  	_ =	shalt  }
0x42: {  	_ =	shalt  }
0x43: {  	_ =	shalt  }
0x44: {  	_ =	shalt  }
0x45: {  	_ =	shalt  }
0x46: {  	_ =	shalt  }
0x47: {  	_ =	shalt  }
0x48: {  	_ =	shalt  }
0x49: {  	_ =	shalt  }
0x4a: {  	_ =	shalt  }
0x4b: {  	_ =	shalt  }
0x4c: {  	_ =	shalt  }
0x4d: {  	_ =	shalt  }
0x4e: {  	_ =	shalt  }
0x4f: {  	_ =	shalt  }
0x50: {  	_ =	shalt  }
0x51: {  	_ =	shalt  }
0x52: {  	_ =	shalt  }
0x53: {  	_ =	shalt  }
0x54: {  	_ =	shalt  }
0x55: {  	_ =	shalt  }
0x56: {  	_ =	shalt  }
0x57: {  	_ =	shalt  }
0x58: {  	_ =	shalt  }
0x59: {  	_ =	shalt  }
0x5a: {  	_ =	shalt  }
0x5b: {  	_ =	shalt  }
0x5c: {  	_ =	shalt  }
0x5d: {  	_ =	shalt  }
0x5e: {  	_ =	shalt  }
0x5f: {  	_ =	shalt  }
0x60: {  	_ =	shalt  }
0x61: {  	_ =	shalt  }
0x62: {  	_ =	shalt  }
0x63: {  	_ =	shalt  }
0x64: {  	_ =	shalt  }
0x65: {  	_ =	shalt  }
0x66: {  	_ =	shalt  }
0x67: {  	_ =	shalt  }
0x68: {  	_ =	shalt  }
0x69: {  	_ =	shalt  }
0x6a: {  	_ =	shalt  }
0x6b: {  	_ =	shalt  }
0x6c: {  	_ =	shalt  }
0x6d: {  	_ =	shalt  }
0x6e: {  	_ =	shalt  }
0x6f: {  	_ =	shalt  }
0x70: {  	_ =	shalt  }
0x71: {  	_ =	shalt  }
0x72: {  	_ =	shalt  }
0x73: {  	_ =	shalt  }
0x74: {  	_ =	shalt  }
0x75: {  	_ =	shalt  }
0x76: {  	_ =	shalt  }
0x77: {  	_ =	shalt  }
0x78: {  	_ =	shalt  }
0x79: {  	_ =	shalt  }
0x7a: {  	_ =	shalt  }
0x7b: {  	_ =	shalt  }
0x7c: {  	_ =	shalt  }
0x7d: {  	_ =	shalt  }
0x7e: {  	_ =	shalt  }
0x7f: {  	_ =	shalt  }
0x80: {  	_ =	shalt  }
0x81: {  	_ =	shalt  }
0x82: {  	_ =	shalt  }
0x83: {  	_ =	shalt  }
0x84: {  	_ =	shalt  }
0x85: {  	_ =	shalt  }
0x86: {  	_ =	shalt  }
0x87: {  	_ =	shalt  }
.Lfunc_end0:
.L_simem_size_0:
called_computation_lowered:
.L_overlay_start_0:
0x88: {  	s2 =	sld [smem:$0x3FD9]  }
0x89: {  	s3 =	sld [smem:$0x3FFE];
	_ =	sdelay $0x1  }
0x8a: {  	s1 =	srdreg.scid  }
0x8b: {  	s0 =	sand.u32 $0x1, s1  }
0x8c: {  	s17 =	sshll.u32 s0, $0xA;
	s2 =	sadd.s32 s3, s2  }
0x8d: {  	s2 =	sadd.s32 s2, s17  }
0x8e: {  	[smem:$0x3FC2] =	sst s2  }
0x8f: {  	_ = 	snop  }
0x90: {  	s2 =	sld [smem:$0x3FD0];
	(tm) =	ssettm $0x1  }
0x91: {  	s18 =	sld [smem:$0x3FFB];
	_ =	sdelay $0x3  }
0x92: {  	_ =	strace s18  }
0x93: {  	s3 =	sld [smem:$0x3FFC];
	_ =	sdelay $0x3  }
0x94: {  	_ =	strace s3  }
0x95: {  	s3 =	sld [smem:$0x3FFD];
	_ =	sdelay $0x3  }
0x96: {  	_ =	strace s3  }
0x97: {  	_ =	strace $0x8FFFFFFF  }
0x98: {  	s19 =	sld [smem:$0x3FDB];
	_ =	sdelay $0x1  }
0x99: {  	s4 =	simm.s32 $_scs_section_size  }
0x9a: {  	s5 =	simm.s32 $_size__tile_overlayer_lowered;
	s6 =	simm.s32 $_tile_overlayer_lowered  }
0x9b: {  	s22 =	simm.s32 $0x1BFF;
	s21 =	sshll.u32 s6, $0x1;
	s3 =	sadd.s32 s4, s19  }
0x9c: {  	s7 =	simm.s32 $0x0;
	s20 =	sshll.u32 s5, $0x1;
	s5 =	sadd.s32 s21, s3  }
0x9d: {  	[timem:s7], [sflag:s22] =	dma.local [hbm:s5], s20  }
0x9e: {  	_ =	swait.ge [sflag:s22], s20  }
0x9f: {  	s4 =	ssub.s32 $0x0, s20;
	[sflag:s22] =	ssyncset.done $0x0  }
0xa0: {  	[sflag:s22] =	ssyncadd.s32 s4;
	_ =	sdelay $0x1  }
0xa1: {  	s23 =	simm.s32 $0x1B8B  }
0xa2: {  	_ =	swait.ge [sflag:s23], $0x1  }
0xa3: {  	[sflag:s23] =	ssyncset.done $0x0  }
0xa4: {  	s25 =	simm.s32 $0x1B8E;
	s24 =	sld [smem:$0x3FFE];
	[sflag:s23] =	ssyncadd.s32 $0xFFFFFFFF  }
0xa5: {  	s26 =	simm.s32 $execute0_lowered;
	[smem:$0x3FD2] =	sst s25  }
0xa6: {  	s5 =	sshll.u32 s26, $0x1;
	_ =	strace $0x80000046;
	[dreg:$0x1] =	wrdreg $0xFFFFFFFF  }
0xa7: {  	s28 =	simm.s32 $_size_execute0_lowered;
	s3 =	sadd.s32 s3, s5;
	[dreg:$0x0] =	wrdreg $0x0  }
0xa8: {  	s5 =	sshll.u32 s28, $0x1;
	[dreg:$0x2] =	wrdreg s3  }
0xa9: {  	[dreg:$0x3] =	wrdreg s5  }
0xaa: {  	[dreg:$0x4] =	wrdreg $0xC0  }
0xab: {  	_ =	task [dreg:s7], $0x5FFFF  }
0xac: {  	[dreg:$0x1] =	wrdreg $0xFFFFFFFF  }
0xad: {  	[dreg:$0x0] =	wrdreg $0x60  }
0xae: {  	[dreg:$0x2] =	wrdreg s24  }
0xaf: {  	[dreg:$0x3] =	wrdreg s2  }
0xb0: {  	[dreg:$0x4] =	wrdreg $0x2C000  }
0xb1: {  	[dreg:$0x5] =	wrdreg $0x9  }
0xb2: {  	_ =	task.clear_ibuf [dreg:s7], $0x6FFFF;
	_ =	strace $0x90000046  }
0xb3: {  	s29 =	simm.s32 $0x9;
	_ =	strace $0x80000048  }
0xb4: {  	_ =	swait.ge [sflag:s29], $0x1  }
0xb5: {  	[sflag:s29] =	ssyncadd.s32 $0xFFFFFFFF  }
0xb6: {  	_ =	strace $0x90000048  }
0xb7: {  	_ =	sfence  }
0xb8: {  	s30 =	sld [smem:$0x0];
	_ =	sdelay $0x2  }
0xb9: {  	s31 =	sshll.u32 s1, $0xD;
	s1 =	sshrl.u32 s1, $0x2  }
0xba: {  	s3 =	sand.u32 $0x4000, s31;
	s1 =	sadd.s32 s1, s30  }
0xbb: {  	s0 =	sor.u32 s3, s0;
	s1 =	sshll.u32 s1, $0x11  }
0xbc: {  	s0 =	sor.u32 s1, s0  }
0xbd: {  	s0 =	sadd.s32 $0x8F2B, s0  }
0xbe: {  	[sflag:s0] =	ssyncadd.remote.s32 $0x1  }
0xbf: {  	_ =	sfence.sel $0xFFFF  }
0xc0: {  	[dreg:$0x0] =	wrdreg $0xFFFFFFFF;
	(pc) =	sbr.abs _section_cstart, $3  }
0xc1: {  	[dreg:$0x1] =	wrdreg $0xFFFFFFFF  }
0xc2: {  	_ =	task.clear_ibuf [dreg:s7], $0x2FFFF;
	_ =	strace $0x9FFFFFFF  }
0xc3: {  	(tm) =	ssettm $0x7FFFFFFF  }
tec
execute0_lowered:
.L_overlay_start_1:
0x0: {  	(tag) =	ssettag $0x1  }
0x1: {  	s4 =	rddreg [dreg:$0x0];
	s1 =	srdreg.scid  }
0x2: {  	s0 =	stileid.u32;
	s6 =	rddreg [dreg:$0x1]  }
0x3: {  	s2 =	rddreg [dreg:$0x2];
	s3 =	simm.s32 $0x0;
	s11 =	simm.s32 $0x2780  }
0x4: {  	s12 =	simm.s32 $0x2880;
	s13 =	simm.s32 $0x10;
	s14 =	simm.s32 $0x2800  }
0x5: {  	s15 =	simm.s32 $0x2900;
	s18 =	simm.s32 $0x20;
	s19 =	simm.s32 $0x0  }
0x6: {  	s5 =	sand.u32 $0x1, s1;
	s1 =	rddreg [dreg:$0x3];
	s8 =	smul.u32 $0xA00, s0  }
0x7: {  	s26 =	sshll.u32 s0, $0x1;
	[smem:$0x7FF] =	sst s3;
	s10 =	smul.u32 $0x500, s0  }
0x8: {  	s16 =	sshll.u32 s0, $0x6;
	s7 =	sor.u32 s5, s26;
	_ =	strace $0x80000047  }
0x9: {  	s9 =	ssub.s32 $0x2, s5;
	s5 =	sshll.u32 s5, $0x7;
	s16 =	sor.u32 $0x1C01, s16  }
0xa: {  	s7 =	smul.u32 $0x4E2, s7;
	s28 =	sshrl.u32 s9, $0x1;
	s29 =	sshrl.u32 s8, $0x2  }
0xb: {  	s30 =	sor.u32 s5, s10;
	s8 =	simm.s32 $0x2980;
	s10 =	simm.s32 $0x80  }
0xc: {  	s9 =	ssub.s32 s9, s28;
	s31 =	sshrl.u32 s30, $0x3;
	s7 =	sadd.s32 s7, s4  }
0xd: {  	s4 =	sadd.s32 s29, s2;
	s6 =	sadd.s32 s6, s31;
	s5 =	sadd.s32 $0xB000, s7  }
0xe: {  	v0 =	vimm.f32 $0.0e+00;
	v1 =	vimm.f32 $1.000000000e+00;
	s7 =	smax.u32 s9, $0x1;
	s9 =	simm.s32 $0x1;
	s17 =	sshrl.u32 s4, $0x3  }
.LBB2_1:
0xf: {  	[tilespmem:$0x2980] =	vst v0  }
0x10: {  	[tilespmem:$0x2990] =	vst v0  }
0x11: {  	[tilespmem:$0x29A0] =	vst v0  }
0x12: {  	[tilespmem:$0x29B0] =	vst v0  }
0x13: {  	[tilespmem:$0x29C0] =	vst v0  }
0x14: {  	[tilespmem:$0x29D0] =	vst v0  }
0x15: {  	[tilespmem:$0x29E0] =	vst v0  }
0x16: {  	[tilespmem:$0x29F0] =	vst v0  }
0x17: {  	[tilespmem:$0x2A00] =	vst v0  }
0x18: {  	[tilespmem:$0x2A10] =	vst v0  }
0x19: {  	[tilespmem:$0x2A20] =	vst v0  }
0x1a: {  	[tilespmem:$0x2A30] =	vst v0  }
0x1b: {  	[tilespmem:$0x2A40] =	vst v0  }
0x1c: {  	[tilespmem:$0x2A50] =	vst v0  }
0x1d: {  	[tilespmem:$0x2A60] =	vst v0  }
0x1e: {  	[tilespmem:$0x2A70] =	vst v0  }
0x1f: {  	[tilespmem:$0x2A80] =	vst v0  }
0x20: {  	[tilespmem:$0x2A90] =	vst v0  }
0x21: {  	[tilespmem:$0x2AA0] =	vst v0  }
0x22: {  	[tilespmem:$0x2AB0] =	vst v0  }
0x23: {  	[tilespmem:$0x2AC0] =	vst v0  }
0x24: {  	[tilespmem:$0x2AD0] =	vst v0  }
0x25: {  	[tilespmem:$0x2AE0] =	vst v0  }
0x26: {  	[tilespmem:$0x2AF0] =	vst v0  }
0x27: {  	[tilespmem:$0x2B00] =	vst v0  }
0x28: {  	[tilespmem:$0x2B10] =	vst v0  }
0x29: {  	[tilespmem:$0x2B20] =	vst v0  }
0x2a: {  	[tilespmem:$0x2B30] =	vst v0  }
0x2b: {  	[tilespmem:$0x2B40] =	vst v0  }
0x2c: {  	[tilespmem:$0x2B50] =	vst v0  }
0x2d: {  	[tilespmem:$0x2B60] =	vst v0  }
0x2e: {  	[tilespmem:$0x2B70] =	vst v0  }
0x2f: {  	[tilespmem:$0x2B80] =	vst v0  }
0x30: {  	[tilespmem:$0x2B90] =	vst v0  }
0x31: {  	[tilespmem:$0x2BA0] =	vst v0  }
0x32: {  	[tilespmem:$0x2BB0] =	vst v0  }
0x33: {  	[tilespmem:$0x2BC0] =	vst v0  }
0x34: {  	[tilespmem:$0x2BD0] =	vst v0  }
0x35: {  	[tilespmem:$0x2BE0] =	vst v0  }
0x36: {  	[tilespmem:$0x2BF0] =	vst v0  }
0x37: {  	[tilespmem:$0x2880] =	vst v1  }
0x38: {  	[tilespmem:$0x2890] =	vst v1  }
0x39: {  	[tilespmem:$0x28A0] =	vst v1  }
0x3a: {  	[tilespmem:$0x28B0] =	vst v1  }
0x3b: {  	[tilespmem:$0x28C0] =	vst v1  }
0x3c: {  	[tilespmem:$0x28D0] =	vst v1  }
0x3d: {  	[tilespmem:$0x28E0] =	vst v1  }
0x3e: {  	[tilespmem:$0x28F0] =	vst v1  }
0x3f: {  	[tilespmem:$0x2900] =	vst v1  }
0x40: {  	[spmem:s4] =	stream.linear.scatter [tilespmem:s8], [sflag:$0x1], $0x280, $0x38;
	[tilespmem:$0x2E80] =	vst v63  }
0x41: {  	_ =	swait.ge [sflag:s9], $0x280  }
0x42: {  	[sflag:s9] =	ssyncset.done $0x0  }
0x43: {  	[sflag:s9] =	ssyncadd.s32 $0xFFFFFD80  }
0x44: {  	[bflag:$0x0] =	sbarrier.arrive $0xFFFF  }
0x45: {  	[tilespmem:s3], [sflag:$0x1] =	stream.linear.gather [hbm4b:s5+s3], $0x2710, $0x38;
	[tilespmem:$0x2E80] =	vst v63  }
0x46: {  	_ =	swait.ge [sflag:s9], $0x2710  }
0x47: {  	[sflag:s9] =	ssyncset.done $0x0  }
0x48: {  	s20 =	simm.s32 $0x0;
	[sflag:s9] =	ssyncadd.s32 $0xFFFFD8F0  }
0x49: {  	v2 =	vld [tilespmem:s20+$0x0];
	_ =	sdelay $0x4  }
0x4a: {  	[tilespmem:$0x2780] =	vst v2  }
0x4b: {  	v2 =	vld [tilespmem:s20+$0x10];
	_ =	sdelay $0x4  }
0x4c: {  	[tilespmem:$0x2790] =	vst v2  }
0x4d: {  	v2 =	vld [tilespmem:s20+$0x20];
	_ =	sdelay $0x4  }
0x4e: {  	[tilespmem:$0x27A0] =	vst v2  }
0x4f: {  	v2 =	vld [tilespmem:s20+$0x30];
	_ =	sdelay $0x4  }
0x50: {  	[tilespmem:$0x27B0] =	vst v2  }
0x51: {  	v2 =	vld [tilespmem:s20+$0x40];
	_ =	sdelay $0x4  }
0x52: {  	[tilespmem:$0x27C0] =	vst v2  }
0x53: {  	v2 =	vld [tilespmem:s20+$0x50];
	_ =	sdelay $0x4  }
0x54: {  	[tilespmem:$0x27D0] =	vst v2  }
0x55: {  	v2 =	vld [tilespmem:s20+$0x60];
	_ =	sdelay $0x4  }
0x56: {  	[tilespmem:$0x27E0] =	vst v2  }
0x57: {  	v2 =	vld [tilespmem:s20+$0x70];
	_ =	sdelay $0x4  }
0x58: {  	[tilespmem:$0x27F0] =	vst v2  }
0x59: {  	[spmem:s2] =	stream.indirect.scatter.add.f32 [tilespmem:s12], [sflag:$0x1], $0x1, s11, s10, $0xb8;
	[tilespmem:$0x2E80] =	vst v63  }
0x5a: {  	_ =	swait.ge [sflag:s9], $0x80  }
0x5b: {  	s22 =	simm.s32 $0x400;
	s20 =	simm.s32 $0x200;
	[sflag:s9] =	ssyncset.done $0x0  }
.LBB2_2:
0x5c: {  	s23 =	sshra.s32 s20, $0x2  }
0x5d: {  	[sflag:s9] =	ssyncadd.s32 $0xFFFFFF80;
	s20 =	smov.u32 s22;
	s21 =	sadd.s32 $0x200, s22  }
0x5e: {  	p0 =	sne.s32 s22, $0x9A00;
	v2 =	vld [tilespmem:s23+$0x0];
	_ =	sdelay $0x4  }
0x5f: {  	[tilespmem:$0x2780] =	vst v2  }
0x60: {  	v2 =	vld [tilespmem:s23+$0x10];
	_ =	sdelay $0x4  }
0x61: {  	[tilespmem:$0x2790] =	vst v2  }
0x62: {  	v2 =	vld [tilespmem:s23+$0x20];
	_ =	sdelay $0x4  }
0x63: {  	[tilespmem:$0x27A0] =	vst v2  }
0x64: {  	v2 =	vld [tilespmem:s23+$0x30];
	_ =	sdelay $0x4  }
0x65: {  	[tilespmem:$0x27B0] =	vst v2  }
0x66: {  	v2 =	vld [tilespmem:s23+$0x40];
	_ =	sdelay $0x4  }
0x67: {  	[tilespmem:$0x27C0] =	vst v2  }
0x68: {  	v2 =	vld [tilespmem:s23+$0x50];
	_ =	sdelay $0x4  }
0x69: {  	[tilespmem:$0x27D0] =	vst v2  }
0x6a: {  	v2 =	vld [tilespmem:s23+$0x60];
	_ =	sdelay $0x4  }
0x6b: {  	[tilespmem:$0x27E0] =	vst v2  }
0x6c: {  	v2 =	vld [tilespmem:s23+$0x70];
	_ =	sdelay $0x3  }
.Ltmp0:
0x6d: {  	(pc) =	sbr.rel @p0 .LBB2_2-.Ltmp0, $4  }
0x6e: {  	[tilespmem:$0x27F0] =	vst v2  }
0x6f: {  	[spmem:s2] =	stream.indirect.scatter.add.f32 [tilespmem:s12], [sflag:$0x1], $0x1, s11, s10, $0xb8;
	[tilespmem:$0x2E80] =	vst v63  }
0x70: {  	_ =	swait.ge [sflag:s9], $0x80  }
0x71: {  	s22 =	smov.u32 s21;
	[sflag:s9] =	ssyncset.done $0x0  }
0x72: {  	s20 =	sshra.s32 s20, $0x2;
	[sflag:s9] =	ssyncadd.s32 $0xFFFFFF80  }
0x73: {  	v2 =	vld [tilespmem:s20+$0x0];
	_ =	sdelay $0x4  }
0x74: {  	[tilespmem:$0x2780] =	vst v2  }
0x75: {  	v2 =	vld [tilespmem:s20+$0x10];
	_ =	sdelay $0x4  }
0x76: {  	[tilespmem:$0x2790] =	vst v2  }
0x77: {  	v2 =	vld [tilespmem:s20+$0x20];
	_ =	sdelay $0x4  }
0x78: {  	[tilespmem:$0x27A0] =	vst v2  }
0x79: {  	v2 =	vld [tilespmem:s20+$0x30];
	_ =	sdelay $0x4  }
0x7a: {  	[tilespmem:$0x27B0] =	vst v2  }
0x7b: {  	v2 =	vld [tilespmem:s20+$0x40];
	_ =	sdelay $0x4  }
0x7c: {  	[tilespmem:$0x27C0] =	vst v2  }
0x7d: {  	v2 =	vld [tilespmem:s20+$0x50];
	_ =	sdelay $0x4  }
0x7e: {  	[tilespmem:$0x27D0] =	vst v2  }
0x7f: {  	v2 =	vld [tilespmem:s20+$0x60];
	_ =	sdelay $0x4  }
0x80: {  	[tilespmem:$0x27E0] =	vst v2  }
0x81: {  	v2 =	vld [tilespmem:s20+$0x70];
	_ =	sdelay $0x4  }
0x82: {  	[tilespmem:$0x27F0] =	vst v2  }
0x83: {  	[spmem:s2] =	stream.indirect.scatter.add.f32 [tilespmem:s12], [sflag:$0x1], $0x1, s11, s10, $0xb8;
	[tilespmem:$0x2E80] =	vst v63  }
0x84: {  	_ =	swait.ge [sflag:s9], $0x80  }
0x85: {  	[sflag:s9] =	ssyncset.done $0x0  }
0x86: {  	[sflag:s9] =	ssyncadd.s32 $0xFFFFFF80  }
0x87: {  	v2 =	vld [tilespmem:$0x2700];
	_ =	sdelay $0x4  }
0x88: {  	[tilespmem:$0x2800] =	vst v2  }
0x89: {  	[spmem:s2] =	stream.indirect.scatter.add.f32 [tilespmem:s15], [sflag:$0x1], $0x1, s14, s13, $0xb8;
	[tilespmem:$0x2E80] =	vst v63  }
0x8a: {  	_ =	swait.ge [sflag:s9], $0x10  }
0x8b: {  	s19 =	sadd.s32 $0x1, s19;
	[sflag:s9] =	ssyncset.done $0x0  }
0x8c: {  	p0 =	sne.s32 s19, s7;
	[sflag:s9] =	ssyncadd.s32 $0xFFFFFFF0  }
.Ltmp1:
0x8d: {  	[bflag:$0x0] =	sbarrier.arrive $0xFFFF;
	(pc) =	sbr.rel @p0 .LBB2_1-.Ltmp1, $4  }
0x8e: {  	[hbm:s6@s18], [sflag:s16] =	dma.strided [spmem:s17@s13], $0x50, s9, $0x10   }
0x8f: {  	_ =	swait.ge [sflag:s9], $0x50  }
0x90: {  	[sflag:s9] =	ssyncset.done $0x0  }
0x91: {  	[sflag:s9] =	ssyncadd.s32 $0xFFFFFFB0  }
0x92: {  	_ =	sfence.sel $0x180000  }
0x93: {  	[bflag:$0x0] =	sbarrier.arrive $0xFFFF  }
0x94: {  	p0 =	sne.s32 s0, $0x0;
	_ =	strace $0x90000047  }
0x95: {  	s0 =	sadd.s32 @!p0 $0x100000, s1;
	[bflag:$0x2] =	sbarrier.arrive $0xFFFF  }
0x96: {  	[sflag:s0] =	ssyncadd.tile.s32 @!p0 $0x1;
	_ =	shalt  }
.Lfunc_end2:
_tile_overlayer_lowered:
.L_overlay_start_2:
0x97: {  	(tag) =	ssettag $0x2  }
0x98: {  	s0 =	rddreg [dreg:$0x0];
	s2 =	stileid.u32  }
0x99: {  	s1 =	rddreg [dreg:$0x1];
	p0 =	sne.s32 s2, $0x0  }
0x9a: {  	s3 =	rddreg [dreg:$0x2];
	[bflag:$0x3] =	sbarrier.arrive $0xFFFF;
	s2 =	simm.s32 @!p0 $0x1C01  }
0x9b: {  	[timem:s3], [sflag:s2] =	dma.local @!p0 [hbm:s0], s1  }
0x9c: {  	s0 =	simm.s32 @!p0 $0x1  }
0x9d: {  	_ =	swait.ge @!p0 [sflag:s0], s1  }
0x9e: {  	s1 =	ssub.s32 @!p0 $0x0, s1;
	[sflag:s0] =	ssyncset.done @!p0 $0x0  }
0x9f: {  	[sflag:s0] =	ssyncadd.s32 @!p0 s1  }
0xa0: {  	[bflag:$0x3] =	sbarrier.arrive $0xFFFF  }
0xa1: {  	_ =	shalt  }

// kernel: kernel.9.cloned.1.call-start
scs
__scs_entry_jumppad:
0x0: {  	(pc) =	sbr.rel $0x88, $3  }
0x1: {  	(tag) =	ssettag $0x0;
	lr =	simm.s32 $0x1  }
0x2: {  	[smem:$0x3F9B] =	sst lr;
	_ =	strace $0xD0000000  }
0x3: {  	_ = 	snop  }
0x4: {  	_ = 	snop  }
0x5: {  	_ = 	snop  }
0x6: {  	_ = 	snop  }
0x7: {  	_ = 	snop  }
__scs_overlays_trampoline_lowered:
0x8: {  	[smem:$0x3FAA] =	sst s0  }
0x9: {  	[smem:$0x3FAB] =	sst s1  }
0xa: {  	[smem:$0x3FAC] =	sst s2  }
0xb: {  	[smem:$0x3FAD] =	sst s3  }
0xc: {  	[smem:$0x3FAE] =	sst s4  }
0xd: {  	[smem:$0x3FAF] =	sst s5  }
0xe: {  	[smem:$0x3FB0] =	sst s6  }
0xf: {  	[smem:$0x3FB1] =	sst s7  }
0x10: {  	[smem:$0x3FB2] =	sst s8  }
0x11: {  	[smem:$0x3FB3] =	sst s9;
	s0 =	simm.s32 @!p0 $0x0  }
0x12: {  	s1 =	sld [smem:$0x3F99];
	s0 =	simm.s32 @p0 $0x1  }
0x13: {  	[smem:$0x3FB4] =	sst s0;
	s0 =	simm.s32 @!p1 $0x0  }
0x14: {  	s2 =	sld [smem:$0x3F98];
	s0 =	simm.s32 @p1 $0x1  }
0x15: {  	[smem:$0x3FB5] =	sst s0;
	s0 =	simm.s32 @!p2 $0x0  }
0x16: {  	s3 =	sld [smem:$0x3FDB];
	s0 =	simm.s32 @p2 $0x1  }
0x17: {  	s4 =	simm.s32 $0x1BF5;
	[smem:$0x3FB7] =	sst s0  }
0x18: {  	s0 =	sld [smem:$0x3F9A];
	_ =	swait.ge [sflag:s4], $0x0  }
0x19: {  	s7 =	sld [smem:$0x3F9B]  }
0x1a: {  	s8 =	sadd.s32 $0xFFFFE003, lr  }
0x1b: {  	s9 =	sadd.s32 $0xFFFFFEF7, lr;
	s5 =	simm.s32 $0xFFFFFFFF;
	p2 =	slt.u32 s8, $0xFFFFF086  }
0x1c: {  	p1 =	slt.u32 s9, $0xF7A;
	s5 =	simm.s32 @!p2 $0x0  }
0x1d: {  	s5 =	simm.s32 @p1 $0x1;
	p0 =	seq.s32 s7, s2  }
0x1e: {  	s7 =	smul.u32 @!p0 $0xF7A, s2;
	p2 =	seq.s32 @!p0 s5, $0x0  }
0x1f: {  	s9 =	smul.u32 $0xF7A, s1;
	s8 =	simm.s32 @!p0 $0x1BF5;
	p2 =	por !p2, p0  }
0x20: {  	[sflag:s8] =	ssyncset.s32 @!p0 $0xFFFFF086;
	s6 =	sadd.s32 @!p0 s3, s7;
	s7 =	simm.s32 @!p0 $0x108  }
0x21: {  	s3 =	sadd.s32 s3, s9;
	s6 =	sadd.s32 @!p0 $0x88, s6;
	s7 =	simm.s32 @p2 $0x1082  }
0x22: {  	[simem:s7], [sflag:s8] =	dma.local @!p0 [hbm:s6], $0xF7A  }
0x23: {  	s9 =	sor.u32 $0xD0000000, s2;
	s6 =	simm.s32 $0x108;
	_ =	swait.ge @!p0 [sflag:s8], $0x0  }
0x24: {  	s3 =	sadd.s32 $0x88, s3;
	s6 =	simm.s32 @!p1 $0x1082;
	[sflag:s4] =	ssyncset.s32 $0xFFFFF086  }
0x25: {  	[simem:s6], [sflag:s4] =	dma.local [hbm:s3], $0xF7A  }
0x26: {  	[smem:$0x3F9B] =	sst s1;
	(tag) =	ssettag s2;
	_ =	strace s9  }
0x27: {  	s1 =	sld [smem:$0x3FAB]  }
0x28: {  	s2 =	sld [smem:$0x3FAC]  }
0x29: {  	s4 =	sld [smem:$0x3FAE]  }
0x2a: {  	p0 =	seq.s32 s5, $0x0;
	s5 =	sld [smem:$0x3FAF]  }
0x2b: {  	s6 =	sld [smem:$0x3FB0]  }
0x2c: {  	s7 =	sld [smem:$0x3FB1]  }
0x2d: {  	s3 =	simm.s32 $0x108;
	s8 =	sld [smem:$0x3FB2]  }
0x2e: {  	s3 =	simm.s32 @!p0 $0x1082;
	s9 =	sld [smem:$0x3FB3]  }
0x2f: {  	lr =	sadd.s32 s0, s3;
	s0 =	sld [smem:$0x3FAA]  }
0x30: {  	s3 =	sld [smem:$0x3FAD]  }
0x31: {  	[smem:$0x3FB6] =	sst s10  }
0x32: {  	s10 =	sld [smem:$0x3FB4];
	_ =	sdelay $0x3  }
0x33: {  	p0 =	seq.s32 s10, $0x1;
	s10 =	sld [smem:$0x3FB6];
	_ =	sdelay $0x3  }
0x34: {  	[smem:$0x3FB6] =	sst s10  }
0x35: {  	s10 =	sld [smem:$0x3FB5];
	_ =	sdelay $0x3  }
0x36: {  	p1 =	seq.s32 s10, $0x1;
	s10 =	sld [smem:$0x3FB6];
	_ =	sdelay $0x3  }
0x37: {  	[smem:$0x3FB6] =	sst s10  }
0x38: {  	s10 =	sld [smem:$0x3FB7]  }
0x39: {  	_ = 	snop;
	(pc) =	sbr.ind lr, $3  }
0x3a: {  	_ = 	snop  }
0x3b: {  	_ = 	snop  }
0x3c: {  	p2 =	seq.s32 s10, $0x1;
	s10 =	sld [smem:$0x3FB6]  }
0x3d: {  	_ =	shalt  }
0x3e: {  	_ =	shalt  }
0x3f: {  	_ =	shalt  }
0x40: {  	_ =	shalt  }
0x41: {  	_ =	shalt  }
0x42: {  	_ =	shalt  }
0x43: {  	_ =	shalt  }
0x44: {  	_ =	shalt  }
0x45: {  	_ =	shalt  }
0x46: {  	_ =	shalt  }
0x47: {  	_ =	shalt  }
0x48: {  	_ =	shalt  }
0x49: {  	_ =	shalt  }
0x4a: {  	_ =	shalt  }
0x4b: {  	_ =	shalt  }
0x4c: {  	_ =	shalt  }
0x4d: {  	_ =	shalt  }
0x4e: {  	_ =	shalt  }
0x4f: {  	_ =	shalt  }
0x50: {  	_ =	shalt  }
0x51: {  	_ =	shalt  }
0x52: {  	_ =	shalt  }
0x53: {  	_ =	shalt  }
0x54: {  	_ =	shalt  }
0x55: {  	_ =	shalt  }
0x56: {  	_ =	shalt  }
0x57: {  	_ =	shalt  }
0x58: {  	_ =	shalt  }
0x59: {  	_ =	shalt  }
0x5a: {  	_ =	shalt  }
0x5b: {  	_ =	shalt  }
0x5c: {  	_ =	shalt  }
0x5d: {  	_ =	shalt  }
0x5e: {  	_ =	shalt  }
0x5f: {  	_ =	shalt  }
0x60: {  	_ =	shalt  }
0x61: {  	_ =	shalt  }
0x62: {  	_ =	shalt  }
0x63: {  	_ =	shalt  }
0x64: {  	_ =	shalt  }
0x65: {  	_ =	shalt  }
0x66: {  	_ =	shalt  }
0x67: {  	_ =	shalt  }
0x68: {  	_ =	shalt  }
0x69: {  	_ =	shalt  }
0x6a: {  	_ =	shalt  }
0x6b: {  	_ =	shalt  }
0x6c: {  	_ =	shalt  }
0x6d: {  	_ =	shalt  }
0x6e: {  	_ =	shalt  }
0x6f: {  	_ =	shalt  }
0x70: {  	_ =	shalt  }
0x71: {  	_ =	shalt  }
0x72: {  	_ =	shalt  }
0x73: {  	_ =	shalt  }
0x74: {  	_ =	shalt  }
0x75: {  	_ =	shalt  }
0x76: {  	_ =	shalt  }
0x77: {  	_ =	shalt  }
0x78: {  	_ =	shalt  }
0x79: {  	_ =	shalt  }
0x7a: {  	_ =	shalt  }
0x7b: {  	_ =	shalt  }
0x7c: {  	_ =	shalt  }
0x7d: {  	_ =	shalt  }
0x7e: {  	_ =	shalt  }
0x7f: {  	_ =	shalt  }
0x80: {  	_ =	shalt  }
0x81: {  	_ =	shalt  }
0x82: {  	_ =	shalt  }
0x83: {  	_ =	shalt  }
0x84: {  	_ =	shalt  }
0x85: {  	_ =	shalt  }
0x86: {  	_ =	shalt  }
0x87: {  	_ =	shalt  }
.Lfunc_end0:
.L_simem_size_0:
called_computation.1_lowered:
.L_overlay_start_0:
0x88: {  	s2 =	sld [smem:$0x3FD9]  }
0x89: {  	s3 =	sld [smem:$0x3FFE];
	_ =	sdelay $0x1  }
0x8a: {  	s1 =	srdreg.scid  }
0x8b: {  	s0 =	sand.u32 $0x1, s1  }
0x8c: {  	s17 =	sshll.u32 s0, $0xA;
	s2 =	sadd.s32 s3, s2  }
0x8d: {  	s2 =	sadd.s32 s2, s17  }
0x8e: {  	[smem:$0x3FC2] =	sst s2  }
0x8f: {  	_ = 	snop  }
0x90: {  	s2 =	sld [smem:$0x3FD0];
	(tm) =	ssettm $0x1  }
0x91: {  	s18 =	sld [smem:$0x3FFB];
	_ =	sdelay $0x3  }
0x92: {  	_ =	strace s18  }
0x93: {  	s3 =	sld [smem:$0x3FFC];
	_ =	sdelay $0x3  }
0x94: {  	_ =	strace s3  }
0x95: {  	s3 =	sld [smem:$0x3FFD];
	_ =	sdelay $0x3  }
0x96: {  	_ =	strace s3  }
0x97: {  	_ =	strace $0x8FFFFFFF  }
0x98: {  	s19 =	sld [smem:$0x3FDB];
	_ =	sdelay $0x1  }
0x99: {  	s4 =	simm.s32 $_scs_section_size  }
0x9a: {  	s5 =	simm.s32 $_size__tile_overlayer_lowered;
	s6 =	simm.s32 $_tile_overlayer_lowered  }
0x9b: {  	s22 =	simm.s32 $0x1BFF;
	s21 =	sshll.u32 s6, $0x1;
	s3 =	sadd.s32 s4, s19  }
0x9c: {  	s7 =	simm.s32 $0x0;
	s20 =	sshll.u32 s5, $0x1;
	s5 =	sadd.s32 s21, s3  }
0x9d: {  	[timem:s7], [sflag:s22] =	dma.local [hbm:s5], s20  }
0x9e: {  	_ =	swait.ge [sflag:s22], s20  }
0x9f: {  	s4 =	ssub.s32 $0x0, s20;
	[sflag:s22] =	ssyncset.done $0x0  }
0xa0: {  	[sflag:s22] =	ssyncadd.s32 s4;
	_ =	sdelay $0x1  }
0xa1: {  	s23 =	simm.s32 $0x1B8B  }
0xa2: {  	_ =	swait.ge [sflag:s23], $0x1  }
0xa3: {  	[sflag:s23] =	ssyncset.done $0x0  }
0xa4: {  	s25 =	simm.s32 $0x1B8E;
	s24 =	sld [smem:$0x3FFE];
	[sflag:s23] =	ssyncadd.s32 $0xFFFFFFFF  }
0xa5: {  	s26 =	simm.s32 $execute0_lowered;
	[smem:$0x3FD2] =	sst s25  }
0xa6: {  	s5 =	sshll.u32 s26, $0x1;
	_ =	strace $0x80000049;
	[dreg:$0x1] =	wrdreg $0xFFFFFFFF  }
0xa7: {  	s28 =	simm.s32 $_size_execute0_lowered;
	s3 =	sadd.s32 s3, s5;
	[dreg:$0x0] =	wrdreg $0x0  }
0xa8: {  	s5 =	sshll.u32 s28, $0x1;
	[dreg:$0x2] =	wrdreg s3  }
0xa9: {  	[dreg:$0x3] =	wrdreg s5  }
0xaa: {  	[dreg:$0x4] =	wrdreg $0xC0  }
0xab: {  	_ =	task [dreg:s7], $0x5FFFF  }
0xac: {  	[dreg:$0x1] =	wrdreg $0xFFFFFFFF  }
0xad: {  	[dreg:$0x0] =	wrdreg $0x60  }
0xae: {  	[dreg:$0x2] =	wrdreg s24  }
0xaf: {  	[dreg:$0x3] =	wrdreg s2  }
0xb0: {  	[dreg:$0x4] =	wrdreg $0x80400  }
0xb1: {  	[dreg:$0x5] =	wrdreg $0x9  }
0xb2: {  	_ =	task.clear_ibuf [dreg:s7], $0x6FFFF;
	_ =	strace $0x90000049  }
0xb3: {  	s29 =	simm.s32 $0x9;
	_ =	strace $0x8000004B  }
0xb4: {  	_ =	swait.ge [sflag:s29], $0x1  }
0xb5: {  	[sflag:s29] =	ssyncadd.s32 $0xFFFFFFFF  }
0xb6: {  	_ =	strace $0x9000004B  }
0xb7: {  	_ =	sfence  }
0xb8: {  	s30 =	sld [smem:$0x0];
	_ =	sdelay $0x2  }
0xb9: {  	s31 =	sshll.u32 s1, $0xD;
	s1 =	sshrl.u32 s1, $0x2  }
0xba: {  	s3 =	sand.u32 $0x4000, s31;
	s1 =	sadd.s32 s1, s30  }
0xbb: {  	s0 =	sor.u32 s3, s0;
	s1 =	sshll.u32 s1, $0x11  }
0xbc: {  	s0 =	sor.u32 s1, s0  }
0xbd: {  	s0 =	sadd.s32 $0x8F2B, s0  }
0xbe: {  	[sflag:s0] =	ssyncadd.remote.s32 $0x1  }
0xbf: {  	_ =	sfence.sel $0xFFFF  }
0xc0: {  	[dreg:$0x0] =	wrdreg $0xFFFFFFFF;
	(pc) =	sbr.abs _section_cstart, $3  }
0xc1: {  	[dreg:$0x1] =	wrdreg $0xFFFFFFFF  }
0xc2: {  	_ =	task.clear_ibuf [dreg:s7], $0x2FFFF;
	_ =	strace $0x9FFFFFFF  }
0xc3: {  	(tm) =	ssettm $0x7FFFFFFF  }
tec
execute0_lowered:
.L_overlay_start_1:
0x0: {  	(tag) =	ssettag $0x1  }
0x1: {  	s5 =	rddreg [dreg:$0x0]  }
0x2: {  	s1 =	srdreg.scid;
	s8 =	rddreg [dreg:$0x1]  }
0x3: {  	s0 =	stileid.u32;
	s2 =	rddreg [dreg:$0x2];
	s3 =	simm.s32 $0x0  }
0x4: {  	s13 =	simm.s32 $0x80;
	s14 =	simm.s32 $0x4E20;
	s15 =	simm.s32 $0x4F40  }
0x5: {  	s16 =	simm.s32 $0x1;
	s17 =	simm.s32 $0x4EA0;
	s18 =	simm.s32 $0x10  }
0x6: {  	s19 =	simm.s32 $0x4F20;
	s20 =	simm.s32 $0x5740;
	s21 =	simm.s32 $0x4F30  }
0x7: {  	s4 =	sand.u32 $0x1, s1;
	s31 =	sshll.u32 s0, $0x1;
	s7 =	smul.u32 $0x2800, s0  }
0x8: {  	[smem:$0x7FF] =	sst s3;
	s1 =	sor.u32 s4, s31;
	s10 =	smul.u32 $0x28000, s4  }
0x9: {  	s9 =	ssub.s32 $0x2, s4;
	s4 =	sadd.s32 $0x14E00, s5;
	s6 =	smul.u32 $0x4E2, s1  }
0xa: {  	s1 =	rddreg [dreg:$0x3];
	_ =	strace $0x8000004A;
	s11 =	sshrl.u32 s9, $0x1  }
0xb: {  	s9 =	ssub.s32 s9, s11;
	s10 =	sadd.s32 s7, s10;
	s11 =	simm.s32 $0x2  }
0xc: {  	s12 =	sadd.s32 s6, s5;
	s5 =	sadd.s32 s7, s2;
	s10 =	sshrl.u32 s10, $0x3  }
0xd: {  	s9 =	smax.u32 s9, $0x1;
	s6 =	sadd.s32 $0x1200, s12;
	s7 =	sadd.s32 $0xB000, s12  }
0xe: {  	v0 =	vimm.f32 $0.0e+00;
	s8 =	sadd.s32 s8, s10;
	s10 =	simm.s32 $0x5840;
	s12 =	simm.s32 $0x2710  }
.LBB2_1:
0xf: {  	s22 =	simm.s32 $0x40;
	s23 =	simm.s32 $0x0  }
.LBB2_2:
0x10: {  	p0 =	sne.s32 s22, $0x9FC0;
	[tilespmem:s23+$0x5840] =	vst v0;
	s23 =	smov.u32 s22;
	s22 =	sadd.s32 $0x40, s22  }
.Ltmp0:
0x11: {  	(pc) =	sbr.rel @p0 .LBB2_2-.Ltmp0, $2  }
0x12: {  	_ =	sdelay $0x2  }
0x13: {  	s23 =	sshra.s32 s23, $0x2  }
0x14: {  	[tilespmem:s23+$0x5840] =	vst v0  }
0x15: {  	[spmem:s5] =	stream.linear.scatter [tilespmem:s10], [sflag:$0x2], $0x2800, $0x38;
	[tilespmem:$0xA840] =	vst v63  }
0x16: {  	_ =	swait.ge [sflag:s11], $0x2800  }
0x17: {  	[sflag:s11] =	ssyncset.done $0x0  }
0x18: {  	[sflag:s11] =	ssyncadd.s32 $0xFFFFD800  }
0x19: {  	s22 =	simm.s32 $0x0;
	[bflag:$0x0] =	sbarrier.arrive $0xFFFF  }
0x1a: {  	[tilespmem:s22], [sflag:$0x2] =	stream.linear.gather [hbm4b:s6+s22], $0x2710, $0x38;
	[tilespmem:$0xA840] =	vst v63  }
0x1b: {  	_ =	swait.ge [sflag:s11], $0x2710  }
0x1c: {  	[sflag:s11] =	ssyncset.done $0x0  }
0x1d: {  	[sflag:s11] =	ssyncadd.s32 $0xFFFFD8F0  }
0x1e: {  	[tilespmem:s12], [sflag:$0x2] =	stream.linear.gather [hbm4b:s7+s22], $0x2710, $0x38;
	[tilespmem:$0xA840] =	vst v63  }
0x1f: {  	_ =	swait.ge [sflag:s11], $0x2710  }
0x20: {  	[sflag:s11] =	ssyncset.done $0x0  }
0x21: {  	s31 =	simm.s32 $0x0;
	[sflag:s11] =	ssyncadd.s32 $0xFFFFD8F0  }
0x22: {  	v1 =	vld [tilespmem:s31+$0x0];
	_ =	sdelay $0x4  }
0x23: {  	[tilespmem:$0x4E20] =	vst v1  }
0x24: {  	v1 =	vld [tilespmem:s31+$0x2710];
	_ =	sdelay $0x4  }
0x25: {  	[tilespmem:$0x4EA0] =	vst v1  }
0x26: {  	v1 =	vld [tilespmem:s31+$0x10];
	_ =	sdelay $0x4  }
0x27: {  	[tilespmem:$0x4E30] =	vst v1  }
0x28: {  	v1 =	vld [tilespmem:s31+$0x2720];
	_ =	sdelay $0x4  }
0x29: {  	[tilespmem:$0x4EB0] =	vst v1  }
0x2a: {  	v1 =	vld [tilespmem:s31+$0x20];
	_ =	sdelay $0x4  }
0x2b: {  	[tilespmem:$0x4E40] =	vst v1  }
0x2c: {  	v1 =	vld [tilespmem:s31+$0x2730];
	_ =	sdelay $0x4  }
0x2d: {  	[tilespmem:$0x4EC0] =	vst v1  }
0x2e: {  	v1 =	vld [tilespmem:s31+$0x30];
	_ =	sdelay $0x4  }
0x2f: {  	[tilespmem:$0x4E50] =	vst v1  }
0x30: {  	v1 =	vld [tilespmem:s31+$0x2740];
	_ =	sdelay $0x4  }
0x31: {  	[tilespmem:$0x4ED0] =	vst v1  }
0x32: {  	v1 =	vld [tilespmem:s31+$0x40];
	_ =	sdelay $0x4  }
0x33: {  	[tilespmem:$0x4E60] =	vst v1  }
0x34: {  	v1 =	vld [tilespmem:s31+$0x2750];
	_ =	sdelay $0x4  }
0x35: {  	[tilespmem:$0x4EE0] =	vst v1  }
0x36: {  	v1 =	vld [tilespmem:s31+$0x50];
	_ =	sdelay $0x4  }
0x37: {  	[tilespmem:$0x4E70] =	vst v1  }
0x38: {  	v1 =	vld [tilespmem:s31+$0x2760];
	_ =	sdelay $0x4  }
0x39: {  	[tilespmem:$0x4EF0] =	vst v1  }
0x3a: {  	v1 =	vld [tilespmem:s31+$0x60];
	_ =	sdelay $0x4  }
0x3b: {  	[tilespmem:$0x4E80] =	vst v1  }
0x3c: {  	v1 =	vld [tilespmem:s31+$0x2770];
	_ =	sdelay $0x4  }
0x3d: {  	[tilespmem:$0x4F00] =	vst v1  }
0x3e: {  	v1 =	vld [tilespmem:s31+$0x70];
	_ =	sdelay $0x4  }
0x3f: {  	[tilespmem:$0x4E90] =	vst v1  }
0x40: {  	v1 =	vld [tilespmem:s31+$0x2780];
	_ =	sdelay $0x4  }
0x41: {  	[tilespmem:$0x4F10] =	vst v1  }
0x42: {  	[tilespmem:s15], [sflag:$0x1] =	stream.indirect.gather [hbm4b:s4+s13], $0x10, s14, s13, $0xb8;
	[tilespmem:$0xA840] =	vst v63  }
0x43: {  	_ =	swait.ge [sflag:s16], $0x800  }
0x44: {  	[sflag:s16] =	ssyncset.done $0x0  }
0x45: {  	[sflag:s16] =	ssyncadd.s32 $0xFFFFF800  }
0x46: {  	[spmem:s2] =	stream.indirect.scatter.add.f32 [tilespmem:s15], [sflag:$0x2], $0x10, s17, s13, $0xb8;
	[tilespmem:$0xA840] =	vst v63  }
0x47: {  	_ =	swait.ge [sflag:s11], $0x800  }
0x48: {  	s25 =	simm.s32 $0x400;
	s22 =	simm.s32 $0x200;
	[sflag:s11] =	ssyncset.done $0x0  }
.LBB2_4:
0x49: {  	s24 =	sshra.s32 s22, $0x2  }
0x4a: {  	[sflag:s11] =	ssyncadd.s32 $0xFFFFF800;
	s22 =	smov.u32 s25;
	s23 =	sadd.s32 $0x200, s25  }
0x4b: {  	p0 =	sne.s32 s25, $0x9A00;
	v1 =	vld [tilespmem:s24+$0x0];
	_ =	sdelay $0x4  }
0x4c: {  	[tilespmem:$0x4E20] =	vst v1  }
0x4d: {  	v1 =	vld [tilespmem:s24+$0x2710];
	_ =	sdelay $0x4  }
0x4e: {  	[tilespmem:$0x4EA0] =	vst v1  }
0x4f: {  	v1 =	vld [tilespmem:s24+$0x10];
	_ =	sdelay $0x4  }
0x50: {  	[tilespmem:$0x4E30] =	vst v1  }
0x51: {  	v1 =	vld [tilespmem:s24+$0x2720];
	_ =	sdelay $0x4  }
0x52: {  	[tilespmem:$0x4EB0] =	vst v1  }
0x53: {  	v1 =	vld [tilespmem:s24+$0x20];
	_ =	sdelay $0x4  }
0x54: {  	[tilespmem:$0x4E40] =	vst v1  }
0x55: {  	v1 =	vld [tilespmem:s24+$0x2730];
	_ =	sdelay $0x4  }
0x56: {  	[tilespmem:$0x4EC0] =	vst v1  }
0x57: {  	v1 =	vld [tilespmem:s24+$0x30];
	_ =	sdelay $0x4  }
0x58: {  	[tilespmem:$0x4E50] =	vst v1  }
0x59: {  	v1 =	vld [tilespmem:s24+$0x2740];
	_ =	sdelay $0x4  }
0x5a: {  	[tilespmem:$0x4ED0] =	vst v1  }
0x5b: {  	v1 =	vld [tilespmem:s24+$0x40];
	_ =	sdelay $0x4  }
0x5c: {  	[tilespmem:$0x4E60] =	vst v1  }
0x5d: {  	v1 =	vld [tilespmem:s24+$0x2750];
	_ =	sdelay $0x4  }
0x5e: {  	[tilespmem:$0x4EE0] =	vst v1  }
0x5f: {  	v1 =	vld [tilespmem:s24+$0x50];
	_ =	sdelay $0x4  }
0x60: {  	[tilespmem:$0x4E70] =	vst v1  }
0x61: {  	v1 =	vld [tilespmem:s24+$0x2760];
	_ =	sdelay $0x4  }
0x62: {  	[tilespmem:$0x4EF0] =	vst v1  }
0x63: {  	v1 =	vld [tilespmem:s24+$0x60];
	_ =	sdelay $0x4  }
0x64: {  	[tilespmem:$0x4E80] =	vst v1  }
0x65: {  	v1 =	vld [tilespmem:s24+$0x2770];
	_ =	sdelay $0x4  }
0x66: {  	[tilespmem:$0x4F00] =	vst v1  }
0x67: {  	v1 =	vld [tilespmem:s24+$0x70];
	_ =	sdelay $0x4  }
0x68: {  	[tilespmem:$0x4E90] =	vst v1  }
0x69: {  	v1 =	vld [tilespmem:s24+$0x2780];
	_ =	sdelay $0x4  }
0x6a: {  	[tilespmem:$0x4F10] =	vst v1  }
0x6b: {  	[tilespmem:s15], [sflag:$0x1] =	stream.indirect.gather [hbm4b:s4+s13], $0x10, s14, s13, $0xb8;
	[tilespmem:$0xA840] =	vst v63  }
0x6c: {  	_ =	swait.ge [sflag:s16], $0x800  }
.Ltmp1:
0x6d: {  	[sflag:s16] =	ssyncset.done $0x0;
	(pc) =	sbr.rel @p0 .LBB2_4-.Ltmp1, $4  }
0x6e: {  	[sflag:s16] =	ssyncadd.s32 $0xFFFFF800  }
0x6f: {  	[spmem:s2] =	stream.indirect.scatter.add.f32 [tilespmem:s15], [sflag:$0x2], $0x10, s17, s13, $0xb8;
	[tilespmem:$0xA840] =	vst v63  }
0x70: {  	_ =	swait.ge [sflag:s11], $0x800  }
0x71: {  	s25 =	smov.u32 s23;
	[sflag:s11] =	ssyncset.done $0x0  }
0x72: {  	s22 =	sshra.s32 s22, $0x2;
	[sflag:s11] =	ssyncadd.s32 $0xFFFFF800  }
0x73: {  	v1 =	vld [tilespmem:s22+$0x0];
	_ =	sdelay $0x4  }
0x74: {  	[tilespmem:$0x4E20] =	vst v1  }
0x75: {  	v1 =	vld [tilespmem:s22+$0x2710];
	_ =	sdelay $0x4  }
0x76: {  	[tilespmem:$0x4EA0] =	vst v1  }
0x77: {  	v1 =	vld [tilespmem:s22+$0x10];
	_ =	sdelay $0x4  }
0x78: {  	[tilespmem:$0x4E30] =	vst v1  }
0x79: {  	v1 =	vld [tilespmem:s22+$0x2720];
	_ =	sdelay $0x4  }
0x7a: {  	[tilespmem:$0x4EB0] =	vst v1  }
0x7b: {  	v1 =	vld [tilespmem:s22+$0x20];
	_ =	sdelay $0x4  }
0x7c: {  	[tilespmem:$0x4E40] =	vst v1  }
0x7d: {  	v1 =	vld [tilespmem:s22+$0x2730];
	_ =	sdelay $0x4  }
0x7e: {  	[tilespmem:$0x4EC0] =	vst v1  }
0x7f: {  	v1 =	vld [tilespmem:s22+$0x30];
	_ =	sdelay $0x4  }
0x80: {  	[tilespmem:$0x4E50] =	vst v1  }
0x81: {  	v1 =	vld [tilespmem:s22+$0x2740];
	_ =	sdelay $0x4  }
0x82: {  	[tilespmem:$0x4ED0] =	vst v1  }
0x83: {  	v1 =	vld [tilespmem:s22+$0x40];
	_ =	sdelay $0x4  }
0x84: {  	[tilespmem:$0x4E60] =	vst v1  }
0x85: {  	v1 =	vld [tilespmem:s22+$0x2750];
	_ =	sdelay $0x4  }
0x86: {  	[tilespmem:$0x4EE0] =	vst v1  }
0x87: {  	v1 =	vld [tilespmem:s22+$0x50];
	_ =	sdelay $0x4  }
0x88: {  	[tilespmem:$0x4E70] =	vst v1  }
0x89: {  	v1 =	vld [tilespmem:s22+$0x2760];
	_ =	sdelay $0x4  }
0x8a: {  	[tilespmem:$0x4EF0] =	vst v1  }
0x8b: {  	v1 =	vld [tilespmem:s22+$0x60];
	_ =	sdelay $0x4  }
0x8c: {  	[tilespmem:$0x4E80] =	vst v1  }
0x8d: {  	v1 =	vld [tilespmem:s22+$0x2770];
	_ =	sdelay $0x4  }
0x8e: {  	[tilespmem:$0x4F00] =	vst v1  }
0x8f: {  	v1 =	vld [tilespmem:s22+$0x70];
	_ =	sdelay $0x4  }
0x90: {  	[tilespmem:$0x4E90] =	vst v1  }
0x91: {  	v1 =	vld [tilespmem:s22+$0x2780];
	_ =	sdelay $0x4  }
0x92: {  	[tilespmem:$0x4F10] =	vst v1  }
0x93: {  	[tilespmem:s15], [sflag:$0x1] =	stream.indirect.gather [hbm4b:s4+s13], $0x10, s14, s13, $0xb8;
	[tilespmem:$0xA840] =	vst v63  }
0x94: {  	_ =	swait.ge [sflag:s16], $0x800  }
0x95: {  	[sflag:s16] =	ssyncset.done $0x0  }
0x96: {  	[sflag:s16] =	ssyncadd.s32 $0xFFFFF800  }
0x97: {  	[spmem:s2] =	stream.indirect.scatter.add.f32 [tilespmem:s15], [sflag:$0x2], $0x10, s17, s13, $0xb8;
	[tilespmem:$0xA840] =	vst v63  }
0x98: {  	_ =	swait.ge [sflag:s11], $0x800  }
0x99: {  	[sflag:s11] =	ssyncset.done $0x0  }
0x9a: {  	[sflag:s11] =	ssyncadd.s32 $0xFFFFF800  }
0x9b: {  	v1 =	vld [tilespmem:$0x2700]  }
0x9c: {  	v2 =	vld [tilespmem:$0x4E10];
	_ =	sdelay $0x3  }
0x9d: {  	[tilespmem:$0x4F20] =	vst v1  }
0x9e: {  	[tilespmem:$0x4F30] =	vst v2  }
0x9f: {  	[tilespmem:s20], [sflag:$0x1] =	stream.indirect.gather [hbm4b:s4+s18], $0x10, s19, s18, $0xb8;
	[tilespmem:$0xA840] =	vst v63  }
0xa0: {  	_ =	swait.ge [sflag:s16], $0x100  }
0xa1: {  	[sflag:s16] =	ssyncset.done $0x0  }
0xa2: {  	[sflag:s16] =	ssyncadd.s32 $0xFFFFFF00  }
0xa3: {  	[spmem:s2] =	stream.indirect.scatter.add.f32 [tilespmem:s20], [sflag:$0x2], $0x10, s21, s18, $0xb8;
	[tilespmem:$0xA840] =	vst v63  }
0xa4: {  	_ =	swait.ge [sflag:s11], $0x100  }
0xa5: {  	s31 =	sshll.u32 s0, $0x6;
	s3 =	sadd.s32 $0x1, s3;
	[sflag:s11] =	ssyncset.done $0x0  }
0xa6: {  	s23 =	sshrl.u32 s5, $0x3;
	p0 =	sne.s32 s3, s9;
	[sflag:s11] =	ssyncadd.s32 $0xFFFFFF00  }
.Ltmp2:
0xa7: {  	s22 =	sor.u32 $0x1C02, s31;
	[bflag:$0x0] =	sbarrier.arrive $0xFFFF;
	(pc) =	sbr.rel @p0 .LBB2_1-.Ltmp2, $4  }
0xa8: {  	[hbm:s8], [sflag:s22] =	dma.local [spmem:s23], $0x500  }
0xa9: {  	_ =	swait.ge [sflag:s11], $0x500  }
0xaa: {  	[sflag:s11] =	ssyncset.done $0x0  }
0xab: {  	[sflag:s11] =	ssyncadd.s32 $0xFFFFFB00  }
0xac: {  	_ =	sfence.sel $0x180000  }
0xad: {  	[bflag:$0x0] =	sbarrier.arrive $0xFFFF  }
0xae: {  	p0 =	sne.s32 s0, $0x0;
	_ =	strace $0x9000004A  }
0xaf: {  	s0 =	sadd.s32 @!p0 $0x100000, s1;
	[bflag:$0x2] =	sbarrier.arrive $0xFFFF  }
0xb0: {  	[sflag:s0] =	ssyncadd.tile.s32 @!p0 $0x1;
	_ =	shalt  }
.Lfunc_end2:
_tile_overlayer_lowered:
.L_overlay_start_2:
0xb1: {  	(tag) =	ssettag $0x2  }
0xb2: {  	s0 =	rddreg [dreg:$0x0];
	s2 =	stileid.u32  }
0xb3: {  	s1 =	rddreg [dreg:$0x1];
	p0 =	sne.s32 s2, $0x0  }
0xb4: {  	s3 =	rddreg [dreg:$0x2];
	[bflag:$0x3] =	sbarrier.arrive $0xFFFF;
	s2 =	simm.s32 @!p0 $0x1C02  }
0xb5: {  	[timem:s3], [sflag:s2] =	dma.local @!p0 [hbm:s0], s1  }
0xb6: {  	s0 =	simm.s32 @!p0 $0x2  }
0xb7: {  	_ =	swait.ge @!p0 [sflag:s0], s1  }
0xb8: {  	s1 =	ssub.s32 @!p0 $0x0, s1;
	[sflag:s0] =	ssyncset.done @!p0 $0x0  }
0xb9: {  	[sflag:s0] =	ssyncadd.s32 @!p0 s1  }
0xba: {  	[bflag:$0x3] =	sbarrier.arrive $0xFFFF  }
0xbb: {  	_ =	shalt  }

</sc_bundles>
